<compile_context>
chip_gen: v7x
topology: tpu7x:2x2x1
jax: 0.10.2.dev20260603
libtpu: 0.0.44.dev20260713+nightly
codegen_flags: <defaults>
</compile_context>

<pallas_src>
import functools

import jax
import jax.numpy as jnp
from jax import lax
from jax.experimental import pallas as pl
from jax.experimental.pallas import tpu as pltpu
from jax.experimental.pallas import tpu_sc as plsc

N_ENT = 1000000
N_REL = 500
DIM = 64
D2 = 2 * DIM
B = 4096
K = 32

NC, NS = 2, 16
NW = NC * NS
CH = 128
NBUF = 4
ROWS_H = B * K
PER_W = ROWS_H // NW
N_ITER = PER_W // (CH * NBUF)
PER_W_B = B // NW
L = 16

BBLK = 256
GRID = B // BBLK
NPAIR = BBLK * K // 2
RPAD = 512


def _sc_gather_body(h_hbm, r_hbm, idx_t, idx_a, idx_r, outh, outa,
                    idxbuf, rb0, rb1, rb2, rb3, pk0, pk1, pk2, pk3,
                    gsem, ssem):
    rowbufs = (rb0, rb1, rb2, rb3)
    pkbufs = (pk0, pk1, pk2, pk3)
    wid = lax.axis_index("s") * NC + lax.axis_index("c")
    base = wid * PER_W

    def loop_body(j, carry):
        off = base + j * (CH * NBUF)
        pltpu.sync_copy(idx_t.at[pl.ds(off, CH * NBUF)], idxbuf)
        handles = [
            pltpu.async_copy(h_hbm.at[idxbuf.at[pl.ds(b * CH, CH)]],
                             rowbufs[b], gsem)
            for b in range(NBUF)
        ]
        for h in handles:
            h.wait()

        for b in range(NBUF):
            rb, pk = rowbufs[b], pkbufs[b]

            def pack_body(p, c, rb=rb, pk=pk):
                for v in range(DIM // L):
                    pk[pl.ds(p * D2 + v * L, L)] = rb[2 * p, pl.ds(v * L, L)]
                    pk[pl.ds(p * D2 + DIM + v * L, L)] = rb[2 * p + 1, pl.ds(v * L, L)]
                return c

            lax.fori_loop(0, CH // 2, pack_body, 0)

        stores = [
            pltpu.async_copy(pkbufs[b],
                             outh.at[pl.ds((off + b * CH) * DIM, CH * DIM)],
                             ssem)
            for b in range(NBUF)
        ]
        for s in stores:
            s.wait()
        return carry

    lax.fori_loop(0, N_ITER, loop_body, 0)

    boff = wid * PER_W_B
    pltpu.sync_copy(idx_a.at[pl.ds(boff, PER_W_B)], idxbuf.at[pl.ds(0, PER_W_B)])
    pltpu.sync_copy(idx_r.at[pl.ds(boff, PER_W_B)], idxbuf.at[pl.ds(CH, PER_W_B)])
    ca = pltpu.async_copy(h_hbm.at[idxbuf.at[pl.ds(0, PER_W_B)]], rowbufs[0], gsem)
    cr = pltpu.async_copy(r_hbm.at[idxbuf.at[pl.ds(CH, PER_W_B)]], rowbufs[1], gsem)
    ca.wait()
    cr.wait()

    def pack_ar(p, c):
        for v in range(DIM // L):
            pk0[pl.ds(p * D2 + v * L, L)] = rowbufs[0][p, pl.ds(v * L, L)]
            pk0[pl.ds(p * D2 + DIM + v * L, L)] = rowbufs[1][p, pl.ds(v * L, L)]
        return c

    lax.fori_loop(0, CH // 2, pack_ar, 0)

    def pack_ar2(p, c):
        for v in range(DIM // L):
            pk1[pl.ds(p * D2 + v * L, L)] = rowbufs[0][CH // 2 + p, pl.ds(v * L, L)]
            pk1[pl.ds(p * D2 + DIM + v * L, L)] = rowbufs[1][CH // 2 + p, pl.ds(v * L, L)]
        return c

    lax.fori_loop(0, CH // 2, pack_ar2, 0)
    pltpu.sync_copy(pk0, outa.at[pl.ds(boff * D2, CH // 2 * D2)])
    pltpu.sync_copy(pk1, outa.at[pl.ds(boff * D2 + CH // 2 * D2, CH // 2 * D2)])


@functools.lru_cache(maxsize=None)
def _build_sc_gather():
    return pl.kernel(
        _sc_gather_body,
        out_type=[
            jax.ShapeDtypeStruct((ROWS_H * DIM,), jnp.float32),
            jax.ShapeDtypeStruct((B * D2,), jnp.float32),
        ],
        mesh=plsc.VectorSubcoreMesh(core_axis_name="c", subcore_axis_name="s",
                                    num_cores=NC, num_subcores=NS),
        scratch_types=(
            [pltpu.VMEM((CH * NBUF,), jnp.int32)]
            + [pltpu.VMEM((CH, DIM), jnp.float32) for _ in range(NBUF)]
            + [pltpu.VMEM((CH // 2 * D2,), jnp.float32) for _ in range(NBUF)]
            + [pltpu.SemaphoreType.DMA, pltpu.SemaphoreType.DMA]
        ),
        compiler_params=pltpu.CompilerParams(use_tc_tiling_on_sc=False),
    )


def _tc_body(ht_ref, ar_ref, pre_ref, pro_ref, rhi_ref, rlo_ref,
             w1a_ref, bd1_ref, bd2_ref, b1_ref, b2_ref, out_ref):
    f32 = jnp.float32
    pre = pre_ref[0, 0, :]
    pro = pro_ref[0, 0, :]
    iota = lax.broadcasted_iota(jnp.int32, (NPAIR, RPAD), 1)
    oh = jnp.concatenate(
        [(iota == pre.reshape(NPAIR, 1)).astype(jnp.bfloat16),
         (iota == pro.reshape(NPAIR, 1)).astype(jnp.bfloat16)], axis=1)
    rt = jnp.dot(oh, rhi_ref[...], preferred_element_type=f32)
    rt = rt + jnp.dot(oh, rlo_ref[...], preferred_element_type=f32)

    ar = ar_ref[...].reshape(BBLK, D2)
    a = ar[:, :DIM]
    rq = ar[:, DIM:]
    u0 = lax.dot_general(rq, w1a_ref[...], (((1,), (1,)), ((), ())),
                         preferred_element_type=f32,
                         precision=lax.Precision.HIGHEST)
    u0d = jnp.concatenate([u0, u0], axis=1)
    u0e = jnp.broadcast_to(u0d.reshape(BBLK, 1, D2),
                           (BBLK, K // 2, D2)).reshape(NPAIR, D2)
    vk = jnp.dot(rt, bd1_ref[...], preferred_element_type=f32,
                 precision=lax.Precision.HIGHEST)
    act = jnp.maximum(u0e + vk + b1_ref[...], 0.0)
    m = jnp.dot(act, bd2_ref[...], preferred_element_type=f32,
                precision=lax.Precision.HIGHEST) + b2_ref[...]

    ht = ht_ref[...].reshape(NPAIR, D2)
    p1 = jnp.sum((m * ht).reshape(BBLK, K // 2, D2), axis=1)
    p2 = jnp.sum((m * rt).reshape(BBLK, K // 2, D2), axis=1)
    s1 = p1[:, :DIM] + p1[:, DIM:]
    s2 = p2[:, :DIM] + p2[:, DIM:]
    fre = s1 - a * s2
    query = a * rq
    refn = jnp.sum(jnp.abs(fre), axis=1, keepdims=True)
    qn = jnp.sum(jnp.abs(query), axis=1, keepdims=True)
    out_ref[0] = query + fre / (1e-9 + refn / qn * 2.5)


def _tc_call(ht, ar, pre, pro, rhi, rlo, w1a, bd1, bd2, b1, b2):
    return pl.pallas_call(
        _tc_body,
        grid=(GRID,),
        in_specs=[
            pl.BlockSpec((NPAIR * D2,), lambda i: (i,)),
            pl.BlockSpec((BBLK * D2,), lambda i: (i,)),
            pl.BlockSpec((1, 1, NPAIR), lambda i: (i, 0, 0)),
            pl.BlockSpec((1, 1, NPAIR), lambda i: (i, 0, 0)),
            pl.BlockSpec((2 * RPAD, D2), lambda i: (0, 0)),
            pl.BlockSpec((2 * RPAD, D2), lambda i: (0, 0)),
            pl.BlockSpec((DIM, DIM), lambda i: (0, 0)),
            pl.BlockSpec((D2, D2), lambda i: (0, 0)),
            pl.BlockSpec((D2, D2), lambda i: (0, 0)),
            pl.BlockSpec((1, D2), lambda i: (0, 0)),
            pl.BlockSpec((1, D2), lambda i: (0, 0)),
        ],
        out_specs=pl.BlockSpec((1, BBLK, DIM), lambda i: (i, 0, 0)),
        out_shape=jax.ShapeDtypeStruct((GRID, BBLK, DIM), jnp.float32),
    )(ht, ar, pre, pro, rhi, rlo, w1a, bd1, bd2, b1, b2)


def kernel(h_table, r_table, W1, b1, W2, b2, anchors, rel_0, p1_target, p1_rel):
    f32 = jnp.float32
    idx_t = p1_target.reshape(-1).astype(jnp.int32)
    idx_a = anchors.astype(jnp.int32)
    idx_r = rel_0.astype(jnp.int32)
    ht2, ar_rows = _build_sc_gather()(h_table, r_table, idx_t, idx_a, idx_r)

    rhi = r_table.astype(jnp.bfloat16)
    rlo = (r_table - rhi.astype(f32)).astype(jnp.bfloat16)
    z = jnp.zeros((RPAD - (N_REL + 1), DIM), jnp.bfloat16)
    zc = jnp.zeros((RPAD, DIM), jnp.bfloat16)
    rhi_cat = jnp.concatenate(
        [jnp.concatenate([jnp.concatenate([rhi, z], 0), zc], 1),
         jnp.concatenate([zc, jnp.concatenate([rhi, z], 0)], 1)], axis=0)
    rlo_cat = jnp.concatenate(
        [jnp.concatenate([jnp.concatenate([rlo, z], 0), zc], 1),
         jnp.concatenate([zc, jnp.concatenate([rlo, z], 0)], 1)], axis=0)

    w1a = W1[:, :DIM]
    w1bt = W1[:, DIM:].T
    zw = jnp.zeros((DIM, DIM), f32)
    bd1 = jnp.concatenate(
        [jnp.concatenate([w1bt, zw], 1), jnp.concatenate([zw, w1bt], 1)], 0)
    w2t = W2.T
    bd2 = jnp.concatenate(
        [jnp.concatenate([w2t, zw], 1), jnp.concatenate([zw, w2t], 1)], 0)
    b1c = jnp.concatenate([b1, b1]).reshape(1, D2)
    b2c = jnp.concatenate([b2, b2]).reshape(1, D2)

    pre = p1_rel[:, 0::2].astype(jnp.int32).reshape(GRID, 1, NPAIR)
    pro = p1_rel[:, 1::2].astype(jnp.int32).reshape(GRID, 1, NPAIR)

    out = _tc_call(
        ht2, ar_rows,
        pre, pro, rhi_cat, rlo_cat, w1a, bd1, bd2, b1c, b2c,
    )
    return out.reshape(B, DIM)

# --- scband reference (transcript-rebuilt; emitter-appended) ---
"""Pipeline reference for scband-idn-gqe-dist-mult-85839216378536 (READ-ONLY COPY).

The authoritative reference and input builder live on the scoring server;
editing this copy changes nothing except your own understanding.
"""

import jax, jax.numpy as jnp
import numpy as np

N_ENT = 1000000
N_REL = 500
DIM = 64
B = 4096
K = 32
EMB_RANGE = (12.0 + 2.0) / DIM

def setup_inputs(seed: int = 0) -> dict:
    key = jax.random.key(seed)
    ks = jax.random.split(key, 8)
    h_table = jax.random.uniform(ks[0], (N_ENT + N_REL + 1, DIM), minval=-EMB_RANGE, maxval=EMB_RANGE, dtype=jnp.float32)
    r_table = jax.random.uniform(ks[1], (N_REL + 1, DIM), minval=-EMB_RANGE, maxval=EMB_RANGE, dtype=jnp.float32)
    W1 = jax.random.normal(ks[2], (DIM, 2 * DIM), dtype=jnp.float32) * (1.0 / np.sqrt(2 * DIM))
    b1 = jnp.zeros((DIM,), dtype=jnp.float32)
    W2 = jax.random.normal(ks[3], (DIM, DIM), dtype=jnp.float32) * (1.0 / np.sqrt(DIM))
    b2 = jnp.zeros((DIM,), dtype=jnp.float32)
    anchors = jax.random.randint(ks[4], (B,), 0, N_ENT, dtype=jnp.int64) if jax.config.jax_enable_x64 else jax.random.randint(ks[4], (B,), 0, N_ENT)
    rel_0 = jax.random.randint(ks[5], (B,), 0, N_REL)
    p1_target = jax.random.randint(ks[6], (B, K), 0, N_ENT)
    p1_rel = jax.random.randint(ks[7], (B, K), 0, N_REL)
    return {"h_table": h_table, "r_table": r_table, "W1": W1, "b1": b1, "W2": W2, "b2": b2,
            "anchors": anchors, "rel_0": rel_0, "p1_target": p1_target, "p1_rel": p1_rel}

def reference(h_table, r_table, W1, b1, W2, b2, anchors, rel_0, p1_target, p1_rel):
    # pad tables with a zero row (torch.cat([...zeros...]) in original forward)
    h = jnp.concatenate([h_table, jnp.zeros((1, DIM), dtype=h_table.dtype)], axis=0)
    r = jnp.concatenate([r_table, jnp.zeros((1, DIM), dtype=r_table.dtype)], axis=0)
    # 1p query path (DistMult projection)
    query_emb = jnp.take(h, anchors, axis=0) * jnp.take(r, rel_0, axis=0)  # [B, D]
    h_target = jnp.take(h, p1_target, axis=0)   # [B, K, D]
    r_target = jnp.take(r, p1_rel, axis=0)      # [B, K, D]
    r_query = jnp.take(r, rel_0, axis=0)        # [B, D]
    refer_start = jnp.take(h, anchors, axis=0)[:, None, :]  # [B, 1, D]
    # ProjectionAggregating
    bias = h_target - refer_start * r_target                        # [B, K, D]
    rq_rep = jnp.broadcast_to(r_query[:, None, :], r_target.shape)  # [B, K, D]
    cat = jnp.concatenate([rq_rep, r_target], axis=-1)              # [B, K, 2D]
    layer_act_1 = jax.nn.relu(cat @ W1.T + b1)                      # [B, K, D]
    final_refer_emb = jnp.sum((layer_act_1 @ W2.T + b2) * bias, axis=-2)  # [B, D]
    ref_norm = jnp.sum(jnp.abs(final_refer_emb), axis=-1)[:, None]
    query_norm = jnp.sum(jnp.abs(query_emb), axis=-1)[:, None]
    const = 2.5
    final_refer_emb = final_refer_emb / (1e-09 + ref_norm / query_norm * const)
    final_query_emb = query_emb + final_refer_emb
    return final_query_emb

if __name__ == "__main__":
    import jax
    _d = setup_inputs()
    print(jax.jit(kernel)(*tuple(_d.values())))

</pallas_src>

<mosaic_0001>
#map = affine_map<(d0, d1) -> (0, 0)>
#map1 = affine_map<(d0, d1) -> (0)>
module attributes {stable_mosaic.version = 14 : i64} {
  func.func @_sc_gather_body(%arg0: i32, %arg1: i32, %arg2: memref<1000501x64xf32, #tpu.memory_space<hbm>>, %arg3: memref<501x64xf32, #tpu.memory_space<hbm>>, %arg4: memref<131072xi32, #tpu.memory_space<hbm>>, %arg5: memref<4096xi32, #tpu.memory_space<hbm>>, %arg6: memref<4096xi32, #tpu.memory_space<hbm>>, %arg7: memref<8388608xf32, #tpu.memory_space<hbm>>, %arg8: memref<524288xf32, #tpu.memory_space<hbm>>, %arg9: memref<512xi32, #tpu.memory_space<vmem>>, %arg10: memref<128x64xf32, #tpu.memory_space<vmem>>, %arg11: memref<128x64xf32, #tpu.memory_space<vmem>>, %arg12: memref<128x64xf32, #tpu.memory_space<vmem>>, %arg13: memref<128x64xf32, #tpu.memory_space<vmem>>, %arg14: memref<8192xf32, #tpu.memory_space<vmem>>, %arg15: memref<8192xf32, #tpu.memory_space<vmem>>, %arg16: memref<8192xf32, #tpu.memory_space<vmem>>, %arg17: memref<8192xf32, #tpu.memory_space<vmem>>, %arg18: memref<!tpu.dma_semaphore, #tpu.memory_space<semaphore_mem>>, %arg19: memref<!tpu.dma_semaphore, #tpu.memory_space<semaphore_mem>>) attributes {dimension_semantics = [#tpu.dimension_semantics<core_parallel>, #tpu.dimension_semantics<subcore_parallel>], iteration_bounds = array<i64: 2, 16>, scalar_prefetch = 0 : i64, scratch_operands = 11 : i64, tpu.core_type = #tpu.core_type<sc_vector_subcore>, window_params = [{transform_indices = #map}, {transform_indices = #map}, {transform_indices = #map1}, {transform_indices = #map1}, {transform_indices = #map1}, {transform_indices = #map1}, {transform_indices = #map1}]} {
    %mul3A = arith.constant 2 : i32
    %mul3A_0 = arith.muli %arg1, %mul3A : i32
    %add3A = arith.addi %mul3A_0, %arg0 : i32
    %mul3A_1 = arith.constant 4096 : i32
    %mul3A_2 = arith.muli %add3A, %mul3A_1 : i32
    %scan3A = arith.constant 0 : i32
    %scan3A_3 = arith.constant 0 : i32
    %scan3A_4 = arith.constant 8 : i32
    %scan3A_5 = arith.addi %scan3A_3, %scan3A_4 : i32
    %scan3A_6 = arith.constant 1 : i32
    scf.for %scan3A_46 = %scan3A_3 to %scan3A_5 step %scan3A_6  : i32 {
      %mul3A_47 = arith.constant 512 : i32
      %mul3A_48 = arith.muli %scan3A_46, %mul3A_47 : i32
      %add3A_49 = arith.addi %mul3A_2, %mul3A_48 : i32
      "tpu.region"() ({
        %run_scoped3A = tpu.sem_alloc : memref<!tpu.dma_semaphore, #tpu.memory_space<semaphore_mem>>
        %dma_start3A_146 = tpu.memref_slice %arg4[%add3A_49] : memref<131072xi32, #tpu.memory_space<hbm>> -> memref<512xi32, #tpu.memory_space<hbm>>
        %dma_start3A_147 = tpu.memref_slice %arg4[%add3A_49] : memref<131072xi32, #tpu.memory_space<hbm>> -> memref<512xi32, #tpu.memory_space<hbm>>
        tpu.enqueue_dma source(%dma_start3A_147 : memref<512xi32, #tpu.memory_space<hbm>>) target(%arg9 : memref<512xi32, #tpu.memory_space<vmem>>) target_semaphore(%run_scoped3A : memref<!tpu.dma_semaphore, #tpu.memory_space<semaphore_mem>>)
        %dma_wait3A_148 = tpu.memref_slice %arg4[%add3A_49] : memref<131072xi32, #tpu.memory_space<hbm>> -> memref<512xi32, #tpu.memory_space<hbm>>
        %dma_wait3A_149 = tpu.memref_slice %arg4[%add3A_49] : memref<131072xi32, #tpu.memory_space<hbm>> -> memref<512xi32, #tpu.memory_space<hbm>>
        tpu.wait_dma2 semaphore(%run_scoped3A : memref<!tpu.dma_semaphore, #tpu.memory_space<semaphore_mem>>) src(%dma_wait3A_149 : memref<512xi32, #tpu.memory_space<hbm>>) dst(%arg9 : memref<512xi32, #tpu.memory_space<vmem>>)
        tpu.yield
      }) : () -> ()
      %dma_start3A_50 = arith.constant 0 : i32
      %dma_start3A_51 = tpu.memref_slice %arg9[%dma_start3A_50] : memref<512xi32, #tpu.memory_space<vmem>> -> memref<128xi32, #tpu.memory_space<vmem>>
      %dma_start3A_52 = arith.constant 0 : i32
      %dma_start3A_53 = arith.constant 0 : i32
      %dma_start3A_54 = tpu.memref_slice %arg2[%dma_start3A_52, %dma_start3A_53] : memref<1000501x64xf32, #tpu.memory_space<hbm>> -> memref<1000501x64xf32, #tpu.memory_space<hbm>>
      tpu.enqueue_indirect_dma source(%dma_start3A_54 : memref<1000501x64xf32, #tpu.memory_space<hbm>>) target(%arg10 : memref<128x64xf32, #tpu.memory_space<vmem>>) offsets(%dma_start3A_51 : memref<128xi32, #tpu.memory_space<vmem>>) semaphore(%arg18 : memref<!tpu.dma_semaphore, #tpu.memory_space<semaphore_mem>>)
      %dma_start3A_55 = arith.constant 128 : i32
      %dma_start3A_56 = tpu.memref_slice %arg9[%dma_start3A_55] : memref<512xi32, #tpu.memory_space<vmem>> -> memref<128xi32, #tpu.memory_space<vmem>>
      %dma_start3A_57 = arith.constant 0 : i32
      %dma_start3A_58 = arith.constant 0 : i32
      %dma_start3A_59 = tpu.memref_slice %arg2[%dma_start3A_57, %dma_start3A_58] : memref<1000501x64xf32, #tpu.memory_space<hbm>> -> memref<1000501x64xf32, #tpu.memory_space<hbm>>
      tpu.enqueue_indirect_dma source(%dma_start3A_59 : memref<1000501x64xf32, #tpu.memory_space<hbm>>) target(%arg11 : memref<128x64xf32, #tpu.memory_space<vmem>>) offsets(%dma_start3A_56 : memref<128xi32, #tpu.memory_space<vmem>>) semaphore(%arg18 : memref<!tpu.dma_semaphore, #tpu.memory_space<semaphore_mem>>)
      %dma_start3A_60 = arith.constant 256 : i32
      %dma_start3A_61 = tpu.memref_slice %arg9[%dma_start3A_60] : memref<512xi32, #tpu.memory_space<vmem>> -> memref<128xi32, #tpu.memory_space<vmem>>
      %dma_start3A_62 = arith.constant 0 : i32
      %dma_start3A_63 = arith.constant 0 : i32
      %dma_start3A_64 = tpu.memref_slice %arg2[%dma_start3A_62, %dma_start3A_63] : memref<1000501x64xf32, #tpu.memory_space<hbm>> -> memref<1000501x64xf32, #tpu.memory_space<hbm>>
      tpu.enqueue_indirect_dma source(%dma_start3A_64 : memref<1000501x64xf32, #tpu.memory_space<hbm>>) target(%arg12 : memref<128x64xf32, #tpu.memory_space<vmem>>) offsets(%dma_start3A_61 : memref<128xi32, #tpu.memory_space<vmem>>) semaphore(%arg18 : memref<!tpu.dma_semaphore, #tpu.memory_space<semaphore_mem>>)
      %dma_start3A_65 = arith.constant 384 : i32
      %dma_start3A_66 = tpu.memref_slice %arg9[%dma_start3A_65] : memref<512xi32, #tpu.memory_space<vmem>> -> memref<128xi32, #tpu.memory_space<vmem>>
      %dma_start3A_67 = arith.constant 0 : i32
      %dma_start3A_68 = arith.constant 0 : i32
      %dma_start3A_69 = tpu.memref_slice %arg2[%dma_start3A_67, %dma_start3A_68] : memref<1000501x64xf32, #tpu.memory_space<hbm>> -> memref<1000501x64xf32, #tpu.memory_space<hbm>>
      tpu.enqueue_indirect_dma source(%dma_start3A_69 : memref<1000501x64xf32, #tpu.memory_space<hbm>>) target(%arg13 : memref<128x64xf32, #tpu.memory_space<vmem>>) offsets(%dma_start3A_66 : memref<128xi32, #tpu.memory_space<vmem>>) semaphore(%arg18 : memref<!tpu.dma_semaphore, #tpu.memory_space<semaphore_mem>>)
      %dma_wait3A_70 = arith.constant 0 : i32
      %dma_wait3A_71 = tpu.memref_slice %arg9[%dma_wait3A_70] : memref<512xi32, #tpu.memory_space<vmem>> -> memref<128xi32, #tpu.memory_space<vmem>>
      %dma_wait3A_72 = arith.constant 0 : i32
      %dma_wait3A_73 = arith.constant 0 : i32
      %dma_wait3A_74 = tpu.memref_slice %arg2[%dma_wait3A_72, %dma_wait3A_73] : memref<1000501x64xf32, #tpu.memory_space<hbm>> -> memref<1000501x64xf32, #tpu.memory_space<hbm>>
      tpu.wait_indirect_dma semaphore(%arg18 : memref<!tpu.dma_semaphore, #tpu.memory_space<semaphore_mem>>) src(%dma_wait3A_74 : memref<1000501x64xf32, #tpu.memory_space<hbm>>) dst(%arg10 : memref<128x64xf32, #tpu.memory_space<vmem>>)
      %dma_wait3A_75 = arith.constant 128 : i32
      %dma_wait3A_76 = tpu.memref_slice %arg9[%dma_wait3A_75] : memref<512xi32, #tpu.memory_space<vmem>> -> memref<128xi32, #tpu.memory_space<vmem>>
      %dma_wait3A_77 = arith.constant 0 : i32
      %dma_wait3A_78 = arith.constant 0 : i32
      %dma_wait3A_79 = tpu.memref_slice %arg2[%dma_wait3A_77, %dma_wait3A_78] : memref<1000501x64xf32, #tpu.memory_space<hbm>> -> memref<1000501x64xf32, #tpu.memory_space<hbm>>
      tpu.wait_indirect_dma semaphore(%arg18 : memref<!tpu.dma_semaphore, #tpu.memory_space<semaphore_mem>>) src(%dma_wait3A_79 : memref<1000501x64xf32, #tpu.memory_space<hbm>>) dst(%arg11 : memref<128x64xf32, #tpu.memory_space<vmem>>)
      %dma_wait3A_80 = arith.constant 256 : i32
      %dma_wait3A_81 = tpu.memref_slice %arg9[%dma_wait3A_80] : memref<512xi32, #tpu.memory_space<vmem>> -> memref<128xi32, #tpu.memory_space<vmem>>
      %dma_wait3A_82 = arith.constant 0 : i32
      %dma_wait3A_83 = arith.constant 0 : i32
      %dma_wait3A_84 = tpu.memref_slice %arg2[%dma_wait3A_82, %dma_wait3A_83] : memref<1000501x64xf32, #tpu.memory_space<hbm>> -> memref<1000501x64xf32, #tpu.memory_space<hbm>>
      tpu.wait_indirect_dma semaphore(%arg18 : memref<!tpu.dma_semaphore, #tpu.memory_space<semaphore_mem>>) src(%dma_wait3A_84 : memref<1000501x64xf32, #tpu.memory_space<hbm>>) dst(%arg12 : memref<128x64xf32, #tpu.memory_space<vmem>>)
      %dma_wait3A_85 = arith.constant 384 : i32
      %dma_wait3A_86 = tpu.memref_slice %arg9[%dma_wait3A_85] : memref<512xi32, #tpu.memory_space<vmem>> -> memref<128xi32, #tpu.memory_space<vmem>>
      %dma_wait3A_87 = arith.constant 0 : i32
      %dma_wait3A_88 = arith.constant 0 : i32
      %dma_wait3A_89 = tpu.memref_slice %arg2[%dma_wait3A_87, %dma_wait3A_88] : memref<1000501x64xf32, #tpu.memory_space<hbm>> -> memref<1000501x64xf32, #tpu.memory_space<hbm>>
      tpu.wait_indirect_dma semaphore(%arg18 : memref<!tpu.dma_semaphore, #tpu.memory_space<semaphore_mem>>) src(%dma_wait3A_89 : memref<1000501x64xf32, #tpu.memory_space<hbm>>) dst(%arg13 : memref<128x64xf32, #tpu.memory_space<vmem>>)
      %scan3A_90 = arith.constant 0 : i32
      %scan3A_91 = arith.constant 0 : i32
      %scan3A_92 = arith.constant 64 : i32
      %scan3A_93 = arith.addi %scan3A_91, %scan3A_92 : i32
      %scan3A_94 = arith.constant 1 : i32
      scf.for %scan3A_146 = %scan3A_91 to %scan3A_93 step %scan3A_94  : i32 {
        %mul3A_147 = arith.constant 2 : i32
        %mul3A_148 = arith.muli %mul3A_147, %scan3A_146 : i32
        %get3A = arith.index_cast %mul3A_148 : i32 to index
        %get3A_149 = arith.constant 0 : index
        %get3A_150 = tpu.vector_load %arg10[%get3A, %get3A_149] {strides = array<i32>} : memref<128x64xf32, #tpu.memory_space<vmem>>, vector<1x16xf32>,
        %get3A_151 = vector.shape_cast %get3A_150 : vector<1x16xf32> to vector<16xf32>
        %mul3A_152 = arith.constant 128 : i32
        %mul3A_153 = arith.muli %scan3A_146, %mul3A_152 : i32
        %add3A_154 = arith.constant 0 : i32
        %add3A_155 = arith.addi %mul3A_153, %add3A_154 : i32
        %swap3A = arith.index_cast %add3A_155 : i32 to index
        %swap3A_156 = tpu.vector_load %arg14[%swap3A] {strides = array<i32>} : memref<8192xf32, #tpu.memory_space<vmem>>, vector<16xf32>,
        %swap3A_157 = vector.shape_cast %swap3A_156 : vector<16xf32> to vector<16xf32>
        %swap3A_158 = vector.shape_cast %get3A_151 : vector<16xf32> to vector<16xf32>
        tpu.vector_store %arg14[%swap3A], %swap3A_158 {strides = array<i32>} : memref<8192xf32, #tpu.memory_space<vmem>>, vector<16xf32>,
        %mul3A_159 = arith.constant 2 : i32
        %mul3A_160 = arith.muli %mul3A_159, %scan3A_146 : i32
        %add3A_161 = arith.constant 1 : i32
        %add3A_162 = arith.addi %mul3A_160, %add3A_161 : i32
        %get3A_163 = arith.index_cast %add3A_162 : i32 to index
        %get3A_164 = arith.constant 0 : index
        %get3A_165 = tpu.vector_load %arg10[%get3A_163, %get3A_164] {strides = array<i32>} : memref<128x64xf32, #tpu.memory_space<vmem>>, vector<1x16xf32>,
        %get3A_166 = vector.shape_cast %get3A_165 : vector<1x16xf32> to vector<16xf32>
        %mul3A_167 = arith.constant 128 : i32
        %mul3A_168 = arith.muli %scan3A_146, %mul3A_167 : i32
        %add3A_169 = arith.constant 64 : i32
        %add3A_170 = arith.addi %mul3A_168, %add3A_169 : i32
        %add3A_171 = arith.constant 0 : i32
        %add3A_172 = arith.addi %add3A_170, %add3A_171 : i32
        %swap3A_173 = arith.index_cast %add3A_172 : i32 to index
        %swap3A_174 = tpu.vector_load %arg14[%swap3A_173] {strides = array<i32>} : memref<8192xf32, #tpu.memory_space<vmem>>, vector<16xf32>,
        %swap3A_175 = vector.shape_cast %swap3A_174 : vector<16xf32> to vector<16xf32>
        %swap3A_176 = vector.shape_cast %get3A_166 : vector<16xf32> to vector<16xf32>
        tpu.vector_store %arg14[%swap3A_173], %swap3A_176 {strides = array<i32>} : memref<8192xf32, #tpu.memory_space<vmem>>, vector<16xf32>,
        %mul3A_177 = arith.constant 2 : i32
        %mul3A_178 = arith.muli %mul3A_177, %scan3A_146 : i32
        %get3A_179 = arith.index_cast %mul3A_178 : i32 to index
        %get3A_180 = arith.constant 16 : index
        %get3A_181 = tpu.vector_load %arg10[%get3A_179, %get3A_180] {strides = array<i32>} : memref<128x64xf32, #tpu.memory_space<vmem>>, vector<1x16xf32>,
        %get3A_182 = vector.shape_cast %get3A_181 : vector<1x16xf32> to vector<16xf32>
        %mul3A_183 = arith.constant 128 : i32
        %mul3A_184 = arith.muli %scan3A_146, %mul3A_183 : i32
        %add3A_185 = arith.constant 16 : i32
        %add3A_186 = arith.addi %mul3A_184, %add3A_185 : i32
        %swap3A_187 = arith.index_cast %add3A_186 : i32 to index
        %swap3A_188 = tpu.vector_load %arg14[%swap3A_187] {strides = array<i32>} : memref<8192xf32, #tpu.memory_space<vmem>>, vector<16xf32>,
        %swap3A_189 = vector.shape_cast %swap3A_188 : vector<16xf32> to vector<16xf32>
        %swap3A_190 = vector.shape_cast %get3A_182 : vector<16xf32> to vector<16xf32>
        tpu.vector_store %arg14[%swap3A_187], %swap3A_190 {strides = array<i32>} : memref<8192xf32, #tpu.memory_space<vmem>>, vector<16xf32>,
        %mul3A_191 = arith.constant 2 : i32
        %mul3A_192 = arith.muli %mul3A_191, %scan3A_146 : i32
        %add3A_193 = arith.constant 1 : i32
        %add3A_194 = arith.addi %mul3A_192, %add3A_193 : i32
        %get3A_195 = arith.index_cast %add3A_194 : i32 to index
        %get3A_196 = arith.constant 16 : index
        %get3A_197 = tpu.vector_load %arg10[%get3A_195, %get3A_196] {strides = array<i32>} : memref<128x64xf32, #tpu.memory_space<vmem>>, vector<1x16xf32>,
        %get3A_198 = vector.shape_cast %get3A_197 : vector<1x16xf32> to vector<16xf32>
        %mul3A_199 = arith.constant 128 : i32
        %mul3A_200 = arith.muli %scan3A_146, %mul3A_199 : i32
        %add3A_201 = arith.constant 64 : i32
        %add3A_202 = arith.addi %mul3A_200, %add3A_201 : i32
        %add3A_203 = arith.constant 16 : i32
        %add3A_204 = arith.addi %add3A_202, %add3A_203 : i32
        %swap3A_205 = arith.index_cast %add3A_204 : i32 to index
        %swap3A_206 = tpu.vector_load %arg14[%swap3A_205] {strides = array<i32>} : memref<8192xf32, #tpu.memory_space<vmem>>, vector<16xf32>,
        %swap3A_207 = vector.shape_cast %swap3A_206 : vector<16xf32> to vector<16xf32>
        %swap3A_208 = vector.shape_cast %get3A_198 : vector<16xf32> to vector<16xf32>
        tpu.vector_store %arg14[%swap3A_205], %swap3A_208 {strides = array<i32>} : memref<8192xf32, #tpu.memory_space<vmem>>, vector<16xf32>,
        %mul3A_209 = arith.constant 2 : i32
        %mul3A_210 = arith.muli %mul3A_209, %scan3A_146 : i32
        %get3A_211 = arith.index_cast %mul3A_210 : i32 to index
        %get3A_212 = arith.constant 32 : index
        %get3A_213 = tpu.vector_load %arg10[%get3A_211, %get3A_212] {strides = array<i32>} : memref<128x64xf32, #tpu.memory_space<vmem>>, vector<1x16xf32>,
        %get3A_214 = vector.shape_cast %get3A_213 : vector<1x16xf32> to vector<16xf32>
        %mul3A_215 = arith.constant 128 : i32
        %mul3A_216 = arith.muli %scan3A_146, %mul3A_215 : i32
        %add3A_217 = arith.constant 32 : i32
        %add3A_218 = arith.addi %mul3A_216, %add3A_217 : i32
        %swap3A_219 = arith.index_cast %add3A_218 : i32 to index
        %swap3A_220 = tpu.vector_load %arg14[%swap3A_219] {strides = array<i32>} : memref<8192xf32, #tpu.memory_space<vmem>>, vector<16xf32>,
        %swap3A_221 = vector.shape_cast %swap3A_220 : vector<16xf32> to vector<16xf32>
        %swap3A_222 = vector.shape_cast %get3A_214 : vector<16xf32> to vector<16xf32>
        tpu.vector_store %arg14[%swap3A_219], %swap3A_222 {strides = array<i32>} : memref<8192xf32, #tpu.memory_space<vmem>>, vector<16xf32>,
        %mul3A_223 = arith.constant 2 : i32
        %mul3A_224 = arith.muli %mul3A_223, %scan3A_146 : i32
        %add3A_225 = arith.constant 1 : i32
        %add3A_226 = arith.addi %mul3A_224, %add3A_225 : i32
        %get3A_227 = arith.index_cast %add3A_226 : i32 to index
        %get3A_228 = arith.constant 32 : index
        %get3A_229 = tpu.vector_load %arg10[%get3A_227, %get3A_228] {strides = array<i32>} : memref<128x64xf32, #tpu.memory_space<vmem>>, vector<1x16xf32>,
        %get3A_230 = vector.shape_cast %get3A_229 : vector<1x16xf32> to vector<16xf32>
        %mul3A_231 = arith.constant 128 : i32
        %mul3A_232 = arith.muli %scan3A_146, %mul3A_231 : i32
        %add3A_233 = arith.constant 64 : i32
        %add3A_234 = arith.addi %mul3A_232, %add3A_233 : i32
        %add3A_235 = arith.constant 32 : i32
        %add3A_236 = arith.addi %add3A_234, %add3A_235 : i32
        %swap3A_237 = arith.index_cast %add3A_236 : i32 to index
        %swap3A_238 = tpu.vector_load %arg14[%swap3A_237] {strides = array<i32>} : memref<8192xf32, #tpu.memory_space<vmem>>, vector<16xf32>,
        %swap3A_239 = vector.shape_cast %swap3A_238 : vector<16xf32> to vector<16xf32>
        %swap3A_240 = vector.shape_cast %get3A_230 : vector<16xf32> to vector<16xf32>
        tpu.vector_store %arg14[%swap3A_237], %swap3A_240 {strides = array<i32>} : memref<8192xf32, #tpu.memory_space<vmem>>, vector<16xf32>,
        %mul3A_241 = arith.constant 2 : i32
        %mul3A_242 = arith.muli %mul3A_241, %scan3A_146 : i32
        %get3A_243 = arith.index_cast %mul3A_242 : i32 to index
        %get3A_244 = arith.constant 48 : index
        %get3A_245 = tpu.vector_load %arg10[%get3A_243, %get3A_244] {strides = array<i32>} : memref<128x64xf32, #tpu.memory_space<vmem>>, vector<1x16xf32>,
        %get3A_246 = vector.shape_cast %get3A_245 : vector<1x16xf32> to vector<16xf32>
        %mul3A_247 = arith.constant 128 : i32
        %mul3A_248 = arith.muli %scan3A_146, %mul3A_247 : i32
        %add3A_249 = arith.constant 48 : i32
        %add3A_250 = arith.addi %mul3A_248, %add3A_249 : i32
        %swap3A_251 = arith.index_cast %add3A_250 : i32 to index
        %swap3A_252 = tpu.vector_load %arg14[%swap3A_251] {strides = array<i32>} : memref<8192xf32, #tpu.memory_space<vmem>>, vector<16xf32>,
        %swap3A_253 = vector.shape_cast %swap3A_252 : vector<16xf32> to vector<16xf32>
        %swap3A_254 = vector.shape_cast %get3A_246 : vector<16xf32> to vector<16xf32>
        tpu.vector_store %arg14[%swap3A_251], %swap3A_254 {strides = array<i32>} : memref<8192xf32, #tpu.memory_space<vmem>>, vector<16xf32>,
        %mul3A_255 = arith.constant 2 : i32
        %mul3A_256 = arith.muli %mul3A_255, %scan3A_146 : i32
        %add3A_257 = arith.constant 1 : i32
        %add3A_258 = arith.addi %mul3A_256, %add3A_257 : i32
        %get3A_259 = arith.index_cast %add3A_258 : i32 to index
        %get3A_260 = arith.constant 48 : index
        %get3A_261 = tpu.vector_load %arg10[%get3A_259, %get3A_260] {strides = array<i32>} : memref<128x64xf32, #tpu.memory_space<vmem>>, vector<1x16xf32>,
        %get3A_262 = vector.shape_cast %get3A_261 : vector<1x16xf32> to vector<16xf32>
        %mul3A_263 = arith.constant 128 : i32
        %mul3A_264 = arith.muli %scan3A_146, %mul3A_263 : i32
        %add3A_265 = arith.constant 64 : i32
        %add3A_266 = arith.addi %mul3A_264, %add3A_265 : i32
        %add3A_267 = arith.constant 48 : i32
        %add3A_268 = arith.addi %add3A_266, %add3A_267 : i32
        %swap3A_269 = arith.index_cast %add3A_268 : i32 to index
        %swap3A_270 = tpu.vector_load %arg14[%swap3A_269] {strides = array<i32>} : memref<8192xf32, #tpu.memory_space<vmem>>, vector<16xf32>,
        %swap3A_271 = vector.shape_cast %swap3A_270 : vector<16xf32> to vector<16xf32>
        %swap3A_272 = vector.shape_cast %get3A_262 : vector<16xf32> to vector<16xf32>
        tpu.vector_store %arg14[%swap3A_269], %swap3A_272 {strides = array<i32>} : memref<8192xf32, #tpu.memory_space<vmem>>, vector<16xf32>,
      }
      %scan3A_95 = arith.constant 64 : i32
      %scan3A_96 = arith.constant 0 : i32
      %scan3A_97 = arith.constant 0 : i32
      %scan3A_98 = arith.constant 64 : i32
      %scan3A_99 = arith.addi %scan3A_97, %scan3A_98 : i32
      %scan3A_100 = arith.constant 1 : i32
      scf.for %scan3A_146 = %scan3A_97 to %scan3A_99 step %scan3A_100  : i32 {
        %mul3A_147 = arith.constant 2 : i32
        %mul3A_148 = arith.muli %mul3A_147, %scan3A_146 : i32
        %get3A = arith.index_cast %mul3A_148 : i32 to index
        %get3A_149 = arith.constant 0 : index
        %get3A_150 = tpu.vector_load %arg11[%get3A, %get3A_149] {strides = array<i32>} : memref<128x64xf32, #tpu.memory_space<vmem>>, vector<1x16xf32>,
        %get3A_151 = vector.shape_cast %get3A_150 : vector<1x16xf32> to vector<16xf32>
        %mul3A_152 = arith.constant 128 : i32
        %mul3A_153 = arith.muli %scan3A_146, %mul3A_152 : i32
        %add3A_154 = arith.constant 0 : i32
        %add3A_155 = arith.addi %mul3A_153, %add3A_154 : i32
        %swap3A = arith.index_cast %add3A_155 : i32 to index
        %swap3A_156 = tpu.vector_load %arg15[%swap3A] {strides = array<i32>} : memref<8192xf32, #tpu.memory_space<vmem>>, vector<16xf32>,
        %swap3A_157 = vector.shape_cast %swap3A_156 : vector<16xf32> to vector<16xf32>
        %swap3A_158 = vector.shape_cast %get3A_151 : vector<16xf32> to vector<16xf32>
        tpu.vector_store %arg15[%swap3A], %swap3A_158 {strides = array<i32>} : memref<8192xf32, #tpu.memory_space<vmem>>, vector<16xf32>,
        %mul3A_159 = arith.constant 2 : i32
        %mul3A_160 = arith.muli %mul3A_159, %scan3A_146 : i32
        %add3A_161 = arith.constant 1 : i32
        %add3A_162 = arith.addi %mul3A_160, %add3A_161 : i32
        %get3A_163 = arith.index_cast %add3A_162 : i32 to index
        %get3A_164 = arith.constant 0 : index
        %get3A_165 = tpu.vector_load %arg11[%get3A_163, %get3A_164] {strides = array<i32>} : memref<128x64xf32, #tpu.memory_space<vmem>>, vector<1x16xf32>,
        %get3A_166 = vector.shape_cast %get3A_165 : vector<1x16xf32> to vector<16xf32>
        %mul3A_167 = arith.constant 128 : i32
        %mul3A_168 = arith.muli %scan3A_146, %mul3A_167 : i32
        %add3A_169 = arith.constant 64 : i32
        %add3A_170 = arith.addi %mul3A_168, %add3A_169 : i32
        %add3A_171 = arith.constant 0 : i32
        %add3A_172 = arith.addi %add3A_170, %add3A_171 : i32
        %swap3A_173 = arith.index_cast %add3A_172 : i32 to index
        %swap3A_174 = tpu.vector_load %arg15[%swap3A_173] {strides = array<i32>} : memref<8192xf32, #tpu.memory_space<vmem>>, vector<16xf32>,
        %swap3A_175 = vector.shape_cast %swap3A_174 : vector<16xf32> to vector<16xf32>
        %swap3A_176 = vector.shape_cast %get3A_166 : vector<16xf32> to vector<16xf32>
        tpu.vector_store %arg15[%swap3A_173], %swap3A_176 {strides = array<i32>} : memref<8192xf32, #tpu.memory_space<vmem>>, vector<16xf32>,
        %mul3A_177 = arith.constant 2 : i32
        %mul3A_178 = arith.muli %mul3A_177, %scan3A_146 : i32
        %get3A_179 = arith.index_cast %mul3A_178 : i32 to index
        %get3A_180 = arith.constant 16 : index
        %get3A_181 = tpu.vector_load %arg11[%get3A_179, %get3A_180] {strides = array<i32>} : memref<128x64xf32, #tpu.memory_space<vmem>>, vector<1x16xf32>,
        %get3A_182 = vector.shape_cast %get3A_181 : vector<1x16xf32> to vector<16xf32>
        %mul3A_183 = arith.constant 128 : i32
        %mul3A_184 = arith.muli %scan3A_146, %mul3A_183 : i32
        %add3A_185 = arith.constant 16 : i32
        %add3A_186 = arith.addi %mul3A_184, %add3A_185 : i32
        %swap3A_187 = arith.index_cast %add3A_186 : i32 to index
        %swap3A_188 = tpu.vector_load %arg15[%swap3A_187] {strides = array<i32>} : memref<8192xf32, #tpu.memory_space<vmem>>, vector<16xf32>,
        %swap3A_189 = vector.shape_cast %swap3A_188 : vector<16xf32> to vector<16xf32>
        %swap3A_190 = vector.shape_cast %get3A_182 : vector<16xf32> to vector<16xf32>
        tpu.vector_store %arg15[%swap3A_187], %swap3A_190 {strides = array<i32>} : memref<8192xf32, #tpu.memory_space<vmem>>, vector<16xf32>,
        %mul3A_191 = arith.constant 2 : i32
        %mul3A_192 = arith.muli %mul3A_191, %scan3A_146 : i32
        %add3A_193 = arith.constant 1 : i32
        %add3A_194 = arith.addi %mul3A_192, %add3A_193 : i32
        %get3A_195 = arith.index_cast %add3A_194 : i32 to index
        %get3A_196 = arith.constant 16 : index
        %get3A_197 = tpu.vector_load %arg11[%get3A_195, %get3A_196] {strides = array<i32>} : memref<128x64xf32, #tpu.memory_space<vmem>>, vector<1x16xf32>,
        %get3A_198 = vector.shape_cast %get3A_197 : vector<1x16xf32> to vector<16xf32>
        %mul3A_199 = arith.constant 128 : i32
        %mul3A_200 = arith.muli %scan3A_146, %mul3A_199 : i32
        %add3A_201 = arith.constant 64 : i32
        %add3A_202 = arith.addi %mul3A_200, %add3A_201 : i32
        %add3A_203 = arith.constant 16 : i32
        %add3A_204 = arith.addi %add3A_202, %add3A_203 : i32
        %swap3A_205 = arith.index_cast %add3A_204 : i32 to index
        %swap3A_206 = tpu.vector_load %arg15[%swap3A_205] {strides = array<i32>} : memref<8192xf32, #tpu.memory_space<vmem>>, vector<16xf32>,
        %swap3A_207 = vector.shape_cast %swap3A_206 : vector<16xf32> to vector<16xf32>
        %swap3A_208 = vector.shape_cast %get3A_198 : vector<16xf32> to vector<16xf32>
        tpu.vector_store %arg15[%swap3A_205], %swap3A_208 {strides = array<i32>} : memref<8192xf32, #tpu.memory_space<vmem>>, vector<16xf32>,
        %mul3A_209 = arith.constant 2 : i32
        %mul3A_210 = arith.muli %mul3A_209, %scan3A_146 : i32
        %get3A_211 = arith.index_cast %mul3A_210 : i32 to index
        %get3A_212 = arith.constant 32 : index
        %get3A_213 = tpu.vector_load %arg11[%get3A_211, %get3A_212] {strides = array<i32>} : memref<128x64xf32, #tpu.memory_space<vmem>>, vector<1x16xf32>,
        %get3A_214 = vector.shape_cast %get3A_213 : vector<1x16xf32> to vector<16xf32>
        %mul3A_215 = arith.constant 128 : i32
        %mul3A_216 = arith.muli %scan3A_146, %mul3A_215 : i32
        %add3A_217 = arith.constant 32 : i32
        %add3A_218 = arith.addi %mul3A_216, %add3A_217 : i32
        %swap3A_219 = arith.index_cast %add3A_218 : i32 to index
        %swap3A_220 = tpu.vector_load %arg15[%swap3A_219] {strides = array<i32>} : memref<8192xf32, #tpu.memory_space<vmem>>, vector<16xf32>,
        %swap3A_221 = vector.shape_cast %swap3A_220 : vector<16xf32> to vector<16xf32>
        %swap3A_222 = vector.shape_cast %get3A_214 : vector<16xf32> to vector<16xf32>
        tpu.vector_store %arg15[%swap3A_219], %swap3A_222 {strides = array<i32>} : memref<8192xf32, #tpu.memory_space<vmem>>, vector<16xf32>,
        %mul3A_223 = arith.constant 2 : i32
        %mul3A_224 = arith.muli %mul3A_223, %scan3A_146 : i32
        %add3A_225 = arith.constant 1 : i32
        %add3A_226 = arith.addi %mul3A_224, %add3A_225 : i32
        %get3A_227 = arith.index_cast %add3A_226 : i32 to index
        %get3A_228 = arith.constant 32 : index
        %get3A_229 = tpu.vector_load %arg11[%get3A_227, %get3A_228] {strides = array<i32>} : memref<128x64xf32, #tpu.memory_space<vmem>>, vector<1x16xf32>,
        %get3A_230 = vector.shape_cast %get3A_229 : vector<1x16xf32> to vector<16xf32>
        %mul3A_231 = arith.constant 128 : i32
        %mul3A_232 = arith.muli %scan3A_146, %mul3A_231 : i32
        %add3A_233 = arith.constant 64 : i32
        %add3A_234 = arith.addi %mul3A_232, %add3A_233 : i32
        %add3A_235 = arith.constant 32 : i32
        %add3A_236 = arith.addi %add3A_234, %add3A_235 : i32
        %swap3A_237 = arith.index_cast %add3A_236 : i32 to index
        %swap3A_238 = tpu.vector_load %arg15[%swap3A_237] {strides = array<i32>} : memref<8192xf32, #tpu.memory_space<vmem>>, vector<16xf32>,
        %swap3A_239 = vector.shape_cast %swap3A_238 : vector<16xf32> to vector<16xf32>
        %swap3A_240 = vector.shape_cast %get3A_230 : vector<16xf32> to vector<16xf32>
        tpu.vector_store %arg15[%swap3A_237], %swap3A_240 {strides = array<i32>} : memref<8192xf32, #tpu.memory_space<vmem>>, vector<16xf32>,
        %mul3A_241 = arith.constant 2 : i32
        %mul3A_242 = arith.muli %mul3A_241, %scan3A_146 : i32
        %get3A_243 = arith.index_cast %mul3A_242 : i32 to index
        %get3A_244 = arith.constant 48 : index
        %get3A_245 = tpu.vector_load %arg11[%get3A_243, %get3A_244] {strides = array<i32>} : memref<128x64xf32, #tpu.memory_space<vmem>>, vector<1x16xf32>,
        %get3A_246 = vector.shape_cast %get3A_245 : vector<1x16xf32> to vector<16xf32>
        %mul3A_247 = arith.constant 128 : i32
        %mul3A_248 = arith.muli %scan3A_146, %mul3A_247 : i32
        %add3A_249 = arith.constant 48 : i32
        %add3A_250 = arith.addi %mul3A_248, %add3A_249 : i32
        %swap3A_251 = arith.index_cast %add3A_250 : i32 to index
        %swap3A_252 = tpu.vector_load %arg15[%swap3A_251] {strides = array<i32>} : memref<8192xf32, #tpu.memory_space<vmem>>, vector<16xf32>,
        %swap3A_253 = vector.shape_cast %swap3A_252 : vector<16xf32> to vector<16xf32>
        %swap3A_254 = vector.shape_cast %get3A_246 : vector<16xf32> to vector<16xf32>
        tpu.vector_store %arg15[%swap3A_251], %swap3A_254 {strides = array<i32>} : memref<8192xf32, #tpu.memory_space<vmem>>, vector<16xf32>,
        %mul3A_255 = arith.constant 2 : i32
        %mul3A_256 = arith.muli %mul3A_255, %scan3A_146 : i32
        %add3A_257 = arith.constant 1 : i32
        %add3A_258 = arith.addi %mul3A_256, %add3A_257 : i32
        %get3A_259 = arith.index_cast %add3A_258 : i32 to index
        %get3A_260 = arith.constant 48 : index
        %get3A_261 = tpu.vector_load %arg11[%get3A_259, %get3A_260] {strides = array<i32>} : memref<128x64xf32, #tpu.memory_space<vmem>>, vector<1x16xf32>,
        %get3A_262 = vector.shape_cast %get3A_261 : vector<1x16xf32> to vector<16xf32>
        %mul3A_263 = arith.constant 128 : i32
        %mul3A_264 = arith.muli %scan3A_146, %mul3A_263 : i32
        %add3A_265 = arith.constant 64 : i32
        %add3A_266 = arith.addi %mul3A_264, %add3A_265 : i32
        %add3A_267 = arith.constant 48 : i32
        %add3A_268 = arith.addi %add3A_266, %add3A_267 : i32
        %swap3A_269 = arith.index_cast %add3A_268 : i32 to index
        %swap3A_270 = tpu.vector_load %arg15[%swap3A_269] {strides = array<i32>} : memref<8192xf32, #tpu.memory_space<vmem>>, vector<16xf32>,
        %swap3A_271 = vector.shape_cast %swap3A_270 : vector<16xf32> to vector<16xf32>
        %swap3A_272 = vector.shape_cast %get3A_262 : vector<16xf32> to vector<16xf32>
        tpu.vector_store %arg15[%swap3A_269], %swap3A_272 {strides = array<i32>} : memref<8192xf32, #tpu.memory_space<vmem>>, vector<16xf32>,
      }
      %scan3A_101 = arith.constant 64 : i32
      %scan3A_102 = arith.constant 0 : i32
      %scan3A_103 = arith.constant 0 : i32
      %scan3A_104 = arith.constant 64 : i32
      %scan3A_105 = arith.addi %scan3A_103, %scan3A_104 : i32
      %scan3A_106 = arith.constant 1 : i32
      scf.for %scan3A_146 = %scan3A_103 to %scan3A_105 step %scan3A_106  : i32 {
        %mul3A_147 = arith.constant 2 : i32
        %mul3A_148 = arith.muli %mul3A_147, %scan3A_146 : i32
        %get3A = arith.index_cast %mul3A_148 : i32 to index
        %get3A_149 = arith.constant 0 : index
        %get3A_150 = tpu.vector_load %arg12[%get3A, %get3A_149] {strides = array<i32>} : memref<128x64xf32, #tpu.memory_space<vmem>>, vector<1x16xf32>,
        %get3A_151 = vector.shape_cast %get3A_150 : vector<1x16xf32> to vector<16xf32>
        %mul3A_152 = arith.constant 128 : i32
        %mul3A_153 = arith.muli %scan3A_146, %mul3A_152 : i32
        %add3A_154 = arith.constant 0 : i32
        %add3A_155 = arith.addi %mul3A_153, %add3A_154 : i32
        %swap3A = arith.index_cast %add3A_155 : i32 to index
        %swap3A_156 = tpu.vector_load %arg16[%swap3A] {strides = array<i32>} : memref<8192xf32, #tpu.memory_space<vmem>>, vector<16xf32>,
        %swap3A_157 = vector.shape_cast %swap3A_156 : vector<16xf32> to vector<16xf32>
        %swap3A_158 = vector.shape_cast %get3A_151 : vector<16xf32> to vector<16xf32>
        tpu.vector_store %arg16[%swap3A], %swap3A_158 {strides = array<i32>} : memref<8192xf32, #tpu.memory_space<vmem>>, vector<16xf32>,
        %mul3A_159 = arith.constant 2 : i32
        %mul3A_160 = arith.muli %mul3A_159, %scan3A_146 : i32
        %add3A_161 = arith.constant 1 : i32
        %add3A_162 = arith.addi %mul3A_160, %add3A_161 : i32
        %get3A_163 = arith.index_cast %add3A_162 : i32 to index
        %get3A_164 = arith.constant 0 : index
        %get3A_165 = tpu.vector_load %arg12[%get3A_163, %get3A_164] {strides = array<i32>} : memref<128x64xf32, #tpu.memory_space<vmem>>, vector<1x16xf32>,
        %get3A_166 = vector.shape_cast %get3A_165 : vector<1x16xf32> to vector<16xf32>
        %mul3A_167 = arith.constant 128 : i32
        %mul3A_168 = arith.muli %scan3A_146, %mul3A_167 : i32
        %add3A_169 = arith.constant 64 : i32
        %add3A_170 = arith.addi %mul3A_168, %add3A_169 : i32
        %add3A_171 = arith.constant 0 : i32
        %add3A_172 = arith.addi %add3A_170, %add3A_171 : i32
        %swap3A_173 = arith.index_cast %add3A_172 : i32 to index
        %swap3A_174 = tpu.vector_load %arg16[%swap3A_173] {strides = array<i32>} : memref<8192xf32, #tpu.memory_space<vmem>>, vector<16xf32>,
        %swap3A_175 = vector.shape_cast %swap3A_174 : vector<16xf32> to vector<16xf32>
        %swap3A_176 = vector.shape_cast %get3A_166 : vector<16xf32> to vector<16xf32>
        tpu.vector_store %arg16[%swap3A_173], %swap3A_176 {strides = array<i32>} : memref<8192xf32, #tpu.memory_space<vmem>>, vector<16xf32>,
        %mul3A_177 = arith.constant 2 : i32
        %mul3A_178 = arith.muli %mul3A_177, %scan3A_146 : i32
        %get3A_179 = arith.index_cast %mul3A_178 : i32 to index
        %get3A_180 = arith.constant 16 : index
        %get3A_181 = tpu.vector_load %arg12[%get3A_179, %get3A_180] {strides = array<i32>} : memref<128x64xf32, #tpu.memory_space<vmem>>, vector<1x16xf32>,
        %get3A_182 = vector.shape_cast %get3A_181 : vector<1x16xf32> to vector<16xf32>
        %mul3A_183 = arith.constant 128 : i32
        %mul3A_184 = arith.muli %scan3A_146, %mul3A_183 : i32
        %add3A_185 = arith.constant 16 : i32
        %add3A_186 = arith.addi %mul3A_184, %add3A_185 : i32
        %swap3A_187 = arith.index_cast %add3A_186 : i32 to index
        %swap3A_188 = tpu.vector_load %arg16[%swap3A_187] {strides = array<i32>} : memref<8192xf32, #tpu.memory_space<vmem>>, vector<16xf32>,
        %swap3A_189 = vector.shape_cast %swap3A_188 : vector<16xf32> to vector<16xf32>
        %swap3A_190 = vector.shape_cast %get3A_182 : vector<16xf32> to vector<16xf32>
        tpu.vector_store %arg16[%swap3A_187], %swap3A_190 {strides = array<i32>} : memref<8192xf32, #tpu.memory_space<vmem>>, vector<16xf32>,
        %mul3A_191 = arith.constant 2 : i32
        %mul3A_192 = arith.muli %mul3A_191, %scan3A_146 : i32
        %add3A_193 = arith.constant 1 : i32
        %add3A_194 = arith.addi %mul3A_192, %add3A_193 : i32
        %get3A_195 = arith.index_cast %add3A_194 : i32 to index
        %get3A_196 = arith.constant 16 : index
        %get3A_197 = tpu.vector_load %arg12[%get3A_195, %get3A_196] {strides = array<i32>} : memref<128x64xf32, #tpu.memory_space<vmem>>, vector<1x16xf32>,
        %get3A_198 = vector.shape_cast %get3A_197 : vector<1x16xf32> to vector<16xf32>
        %mul3A_199 = arith.constant 128 : i32
        %mul3A_200 = arith.muli %scan3A_146, %mul3A_199 : i32
        %add3A_201 = arith.constant 64 : i32
        %add3A_202 = arith.addi %mul3A_200, %add3A_201 : i32
        %add3A_203 = arith.constant 16 : i32
        %add3A_204 = arith.addi %add3A_202, %add3A_203 : i32
        %swap3A_205 = arith.index_cast %add3A_204 : i32 to index
        %swap3A_206 = tpu.vector_load %arg16[%swap3A_205] {strides = array<i32>} : memref<8192xf32, #tpu.memory_space<vmem>>, vector<16xf32>,
        %swap3A_207 = vector.shape_cast %swap3A_206 : vector<16xf32> to vector<16xf32>
        %swap3A_208 = vector.shape_cast %get3A_198 : vector<16xf32> to vector<16xf32>
        tpu.vector_store %arg16[%swap3A_205], %swap3A_208 {strides = array<i32>} : memref<8192xf32, #tpu.memory_space<vmem>>, vector<16xf32>,
        %mul3A_209 = arith.constant 2 : i32
        %mul3A_210 = arith.muli %mul3A_209, %scan3A_146 : i32
        %get3A_211 = arith.index_cast %mul3A_210 : i32 to index
        %get3A_212 = arith.constant 32 : index
        %get3A_213 = tpu.vector_load %arg12[%get3A_211, %get3A_212] {strides = array<i32>} : memref<128x64xf32, #tpu.memory_space<vmem>>, vector<1x16xf32>,
        %get3A_214 = vector.shape_cast %get3A_213 : vector<1x16xf32> to vector<16xf32>
        %mul3A_215 = arith.constant 128 : i32
        %mul3A_216 = arith.muli %scan3A_146, %mul3A_215 : i32
        %add3A_217 = arith.constant 32 : i32
        %add3A_218 = arith.addi %mul3A_216, %add3A_217 : i32
        %swap3A_219 = arith.index_cast %add3A_218 : i32 to index
        %swap3A_220 = tpu.vector_load %arg16[%swap3A_219] {strides = array<i32>} : memref<8192xf32, #tpu.memory_space<vmem>>, vector<16xf32>,
        %swap3A_221 = vector.shape_cast %swap3A_220 : vector<16xf32> to vector<16xf32>
        %swap3A_222 = vector.shape_cast %get3A_214 : vector<16xf32> to vector<16xf32>
        tpu.vector_store %arg16[%swap3A_219], %swap3A_222 {strides = array<i32>} : memref<8192xf32, #tpu.memory_space<vmem>>, vector<16xf32>,
        %mul3A_223 = arith.constant 2 : i32
        %mul3A_224 = arith.muli %mul3A_223, %scan3A_146 : i32
        %add3A_225 = arith.constant 1 : i32
        %add3A_226 = arith.addi %mul3A_224, %add3A_225 : i32
        %get3A_227 = arith.index_cast %add3A_226 : i32 to index
        %get3A_228 = arith.constant 32 : index
        %get3A_229 = tpu.vector_load %arg12[%get3A_227, %get3A_228] {strides = array<i32>} : memref<128x64xf32, #tpu.memory_space<vmem>>, vector<1x16xf32>,
        %get3A_230 = vector.shape_cast %get3A_229 : vector<1x16xf32> to vector<16xf32>
        %mul3A_231 = arith.constant 128 : i32
        %mul3A_232 = arith.muli %scan3A_146, %mul3A_231 : i32
        %add3A_233 = arith.constant 64 : i32
        %add3A_234 = arith.addi %mul3A_232, %add3A_233 : i32
        %add3A_235 = arith.constant 32 : i32
        %add3A_236 = arith.addi %add3A_234, %add3A_235 : i32
        %swap3A_237 = arith.index_cast %add3A_236 : i32 to index
        %swap3A_238 = tpu.vector_load %arg16[%swap3A_237] {strides = array<i32>} : memref<8192xf32, #tpu.memory_space<vmem>>, vector<16xf32>,
        %swap3A_239 = vector.shape_cast %swap3A_238 : vector<16xf32> to vector<16xf32>
        %swap3A_240 = vector.shape_cast %get3A_230 : vector<16xf32> to vector<16xf32>
        tpu.vector_store %arg16[%swap3A_237], %swap3A_240 {strides = array<i32>} : memref<8192xf32, #tpu.memory_space<vmem>>, vector<16xf32>,
        %mul3A_241 = arith.constant 2 : i32
        %mul3A_242 = arith.muli %mul3A_241, %scan3A_146 : i32
        %get3A_243 = arith.index_cast %mul3A_242 : i32 to index
        %get3A_244 = arith.constant 48 : index
        %get3A_245 = tpu.vector_load %arg12[%get3A_243, %get3A_244] {strides = array<i32>} : memref<128x64xf32, #tpu.memory_space<vmem>>, vector<1x16xf32>,
        %get3A_246 = vector.shape_cast %get3A_245 : vector<1x16xf32> to vector<16xf32>
        %mul3A_247 = arith.constant 128 : i32
        %mul3A_248 = arith.muli %scan3A_146, %mul3A_247 : i32
        %add3A_249 = arith.constant 48 : i32
        %add3A_250 = arith.addi %mul3A_248, %add3A_249 : i32
        %swap3A_251 = arith.index_cast %add3A_250 : i32 to index
        %swap3A_252 = tpu.vector_load %arg16[%swap3A_251] {strides = array<i32>} : memref<8192xf32, #tpu.memory_space<vmem>>, vector<16xf32>,
        %swap3A_253 = vector.shape_cast %swap3A_252 : vector<16xf32> to vector<16xf32>
        %swap3A_254 = vector.shape_cast %get3A_246 : vector<16xf32> to vector<16xf32>
        tpu.vector_store %arg16[%swap3A_251], %swap3A_254 {strides = array<i32>} : memref<8192xf32, #tpu.memory_space<vmem>>, vector<16xf32>,
        %mul3A_255 = arith.constant 2 : i32
        %mul3A_256 = arith.muli %mul3A_255, %scan3A_146 : i32
        %add3A_257 = arith.constant 1 : i32
        %add3A_258 = arith.addi %mul3A_256, %add3A_257 : i32
        %get3A_259 = arith.index_cast %add3A_258 : i32 to index
        %get3A_260 = arith.constant 48 : index
        %get3A_261 = tpu.vector_load %arg12[%get3A_259, %get3A_260] {strides = array<i32>} : memref<128x64xf32, #tpu.memory_space<vmem>>, vector<1x16xf32>,
        %get3A_262 = vector.shape_cast %get3A_261 : vector<1x16xf32> to vector<16xf32>
        %mul3A_263 = arith.constant 128 : i32
        %mul3A_264 = arith.muli %scan3A_146, %mul3A_263 : i32
        %add3A_265 = arith.constant 64 : i32
        %add3A_266 = arith.addi %mul3A_264, %add3A_265 : i32
        %add3A_267 = arith.constant 48 : i32
        %add3A_268 = arith.addi %add3A_266, %add3A_267 : i32
        %swap3A_269 = arith.index_cast %add3A_268 : i32 to index
        %swap3A_270 = tpu.vector_load %arg16[%swap3A_269] {strides = array<i32>} : memref<8192xf32, #tpu.memory_space<vmem>>, vector<16xf32>,
        %swap3A_271 = vector.shape_cast %swap3A_270 : vector<16xf32> to vector<16xf32>
        %swap3A_272 = vector.shape_cast %get3A_262 : vector<16xf32> to vector<16xf32>
        tpu.vector_store %arg16[%swap3A_269], %swap3A_272 {strides = array<i32>} : memref<8192xf32, #tpu.memory_space<vmem>>, vector<16xf32>,
      }
      %scan3A_107 = arith.constant 64 : i32
      %scan3A_108 = arith.constant 0 : i32
      %scan3A_109 = arith.constant 0 : i32
      %scan3A_110 = arith.constant 64 : i32
      %scan3A_111 = arith.addi %scan3A_109, %scan3A_110 : i32
      %scan3A_112 = arith.constant 1 : i32
      scf.for %scan3A_146 = %scan3A_109 to %scan3A_111 step %scan3A_112  : i32 {
        %mul3A_147 = arith.constant 2 : i32
        %mul3A_148 = arith.muli %mul3A_147, %scan3A_146 : i32
        %get3A = arith.index_cast %mul3A_148 : i32 to index
        %get3A_149 = arith.constant 0 : index
        %get3A_150 = tpu.vector_load %arg13[%get3A, %get3A_149] {strides = array<i32>} : memref<128x64xf32, #tpu.memory_space<vmem>>, vector<1x16xf32>,
        %get3A_151 = vector.shape_cast %get3A_150 : vector<1x16xf32> to vector<16xf32>
        %mul3A_152 = arith.constant 128 : i32
        %mul3A_153 = arith.muli %scan3A_146, %mul3A_152 : i32
        %add3A_154 = arith.constant 0 : i32
        %add3A_155 = arith.addi %mul3A_153, %add3A_154 : i32
        %swap3A = arith.index_cast %add3A_155 : i32 to index
        %swap3A_156 = tpu.vector_load %arg17[%swap3A] {strides = array<i32>} : memref<8192xf32, #tpu.memory_space<vmem>>, vector<16xf32>,
        %swap3A_157 = vector.shape_cast %swap3A_156 : vector<16xf32> to vector<16xf32>
        %swap3A_158 = vector.shape_cast %get3A_151 : vector<16xf32> to vector<16xf32>
        tpu.vector_store %arg17[%swap3A], %swap3A_158 {strides = array<i32>} : memref<8192xf32, #tpu.memory_space<vmem>>, vector<16xf32>,
        %mul3A_159 = arith.constant 2 : i32
        %mul3A_160 = arith.muli %mul3A_159, %scan3A_146 : i32
        %add3A_161 = arith.constant 1 : i32
        %add3A_162 = arith.addi %mul3A_160, %add3A_161 : i32
        %get3A_163 = arith.index_cast %add3A_162 : i32 to index
        %get3A_164 = arith.constant 0 : index
        %get3A_165 = tpu.vector_load %arg13[%get3A_163, %get3A_164] {strides = array<i32>} : memref<128x64xf32, #tpu.memory_space<vmem>>, vector<1x16xf32>,
        %get3A_166 = vector.shape_cast %get3A_165 : vector<1x16xf32> to vector<16xf32>
        %mul3A_167 = arith.constant 128 : i32
        %mul3A_168 = arith.muli %scan3A_146, %mul3A_167 : i32
        %add3A_169 = arith.constant 64 : i32
        %add3A_170 = arith.addi %mul3A_168, %add3A_169 : i32
        %add3A_171 = arith.constant 0 : i32
        %add3A_172 = arith.addi %add3A_170, %add3A_171 : i32
        %swap3A_173 = arith.index_cast %add3A_172 : i32 to index
        %swap3A_174 = tpu.vector_load %arg17[%swap3A_173] {strides = array<i32>} : memref<8192xf32, #tpu.memory_space<vmem>>, vector<16xf32>,
        %swap3A_175 = vector.shape_cast %swap3A_174 : vector<16xf32> to vector<16xf32>
        %swap3A_176 = vector.shape_cast %get3A_166 : vector<16xf32> to vector<16xf32>
        tpu.vector_store %arg17[%swap3A_173], %swap3A_176 {strides = array<i32>} : memref<8192xf32, #tpu.memory_space<vmem>>, vector<16xf32>,
        %mul3A_177 = arith.constant 2 : i32
        %mul3A_178 = arith.muli %mul3A_177, %scan3A_146 : i32
        %get3A_179 = arith.index_cast %mul3A_178 : i32 to index
        %get3A_180 = arith.constant 16 : index
        %get3A_181 = tpu.vector_load %arg13[%get3A_179, %get3A_180] {strides = array<i32>} : memref<128x64xf32, #tpu.memory_space<vmem>>, vector<1x16xf32>,
        %get3A_182 = vector.shape_cast %get3A_181 : vector<1x16xf32> to vector<16xf32>
        %mul3A_183 = arith.constant 128 : i32
        %mul3A_184 = arith.muli %scan3A_146, %mul3A_183 : i32
        %add3A_185 = arith.constant 16 : i32
        %add3A_186 = arith.addi %mul3A_184, %add3A_185 : i32
        %swap3A_187 = arith.index_cast %add3A_186 : i32 to index
        %swap3A_188 = tpu.vector_load %arg17[%swap3A_187] {strides = array<i32>} : memref<8192xf32, #tpu.memory_space<vmem>>, vector<16xf32>,
        %swap3A_189 = vector.shape_cast %swap3A_188 : vector<16xf32> to vector<16xf32>
        %swap3A_190 = vector.shape_cast %get3A_182 : vector<16xf32> to vector<16xf32>
        tpu.vector_store %arg17[%swap3A_187], %swap3A_190 {strides = array<i32>} : memref<8192xf32, #tpu.memory_space<vmem>>, vector<16xf32>,
        %mul3A_191 = arith.constant 2 : i32
        %mul3A_192 = arith.muli %mul3A_191, %scan3A_146 : i32
        %add3A_193 = arith.constant 1 : i32
        %add3A_194 = arith.addi %mul3A_192, %add3A_193 : i32
        %get3A_195 = arith.index_cast %add3A_194 : i32 to index
        %get3A_196 = arith.constant 16 : index
        %get3A_197 = tpu.vector_load %arg13[%get3A_195, %get3A_196] {strides = array<i32>} : memref<128x64xf32, #tpu.memory_space<vmem>>, vector<1x16xf32>,
        %get3A_198 = vector.shape_cast %get3A_197 : vector<1x16xf32> to vector<16xf32>
        %mul3A_199 = arith.constant 128 : i32
        %mul3A_200 = arith.muli %scan3A_146, %mul3A_199 : i32
        %add3A_201 = arith.constant 64 : i32
        %add3A_202 = arith.addi %mul3A_200, %add3A_201 : i32
        %add3A_203 = arith.constant 16 : i32
        %add3A_204 = arith.addi %add3A_202, %add3A_203 : i32
        %swap3A_205 = arith.index_cast %add3A_204 : i32 to index
        %swap3A_206 = tpu.vector_load %arg17[%swap3A_205] {strides = array<i32>} : memref<8192xf32, #tpu.memory_space<vmem>>, vector<16xf32>,
        %swap3A_207 = vector.shape_cast %swap3A_206 : vector<16xf32> to vector<16xf32>
        %swap3A_208 = vector.shape_cast %get3A_198 : vector<16xf32> to vector<16xf32>
        tpu.vector_store %arg17[%swap3A_205], %swap3A_208 {strides = array<i32>} : memref<8192xf32, #tpu.memory_space<vmem>>, vector<16xf32>,
        %mul3A_209 = arith.constant 2 : i32
        %mul3A_210 = arith.muli %mul3A_209, %scan3A_146 : i32
        %get3A_211 = arith.index_cast %mul3A_210 : i32 to index
        %get3A_212 = arith.constant 32 : index
        %get3A_213 = tpu.vector_load %arg13[%get3A_211, %get3A_212] {strides = array<i32>} : memref<128x64xf32, #tpu.memory_space<vmem>>, vector<1x16xf32>,
        %get3A_214 = vector.shape_cast %get3A_213 : vector<1x16xf32> to vector<16xf32>
        %mul3A_215 = arith.constant 128 : i32
        %mul3A_216 = arith.muli %scan3A_146, %mul3A_215 : i32
        %add3A_217 = arith.constant 32 : i32
        %add3A_218 = arith.addi %mul3A_216, %add3A_217 : i32
        %swap3A_219 = arith.index_cast %add3A_218 : i32 to index
        %swap3A_220 = tpu.vector_load %arg17[%swap3A_219] {strides = array<i32>} : memref<8192xf32, #tpu.memory_space<vmem>>, vector<16xf32>,
        %swap3A_221 = vector.shape_cast %swap3A_220 : vector<16xf32> to vector<16xf32>
        %swap3A_222 = vector.shape_cast %get3A_214 : vector<16xf32> to vector<16xf32>
        tpu.vector_store %arg17[%swap3A_219], %swap3A_222 {strides = array<i32>} : memref<8192xf32, #tpu.memory_space<vmem>>, vector<16xf32>,
        %mul3A_223 = arith.constant 2 : i32
        %mul3A_224 = arith.muli %mul3A_223, %scan3A_146 : i32
        %add3A_225 = arith.constant 1 : i32
        %add3A_226 = arith.addi %mul3A_224, %add3A_225 : i32
        %get3A_227 = arith.index_cast %add3A_226 : i32 to index
        %get3A_228 = arith.constant 32 : index
        %get3A_229 = tpu.vector_load %arg13[%get3A_227, %get3A_228] {strides = array<i32>} : memref<128x64xf32, #tpu.memory_space<vmem>>, vector<1x16xf32>,
        %get3A_230 = vector.shape_cast %get3A_229 : vector<1x16xf32> to vector<16xf32>
        %mul3A_231 = arith.constant 128 : i32
        %mul3A_232 = arith.muli %scan3A_146, %mul3A_231 : i32
        %add3A_233 = arith.constant 64 : i32
        %add3A_234 = arith.addi %mul3A_232, %add3A_233 : i32
        %add3A_235 = arith.constant 32 : i32
        %add3A_236 = arith.addi %add3A_234, %add3A_235 : i32
        %swap3A_237 = arith.index_cast %add3A_236 : i32 to index
        %swap3A_238 = tpu.vector_load %arg17[%swap3A_237] {strides = array<i32>} : memref<8192xf32, #tpu.memory_space<vmem>>, vector<16xf32>,
        %swap3A_239 = vector.shape_cast %swap3A_238 : vector<16xf32> to vector<16xf32>
        %swap3A_240 = vector.shape_cast %get3A_230 : vector<16xf32> to vector<16xf32>
        tpu.vector_store %arg17[%swap3A_237], %swap3A_240 {strides = array<i32>} : memref<8192xf32, #tpu.memory_space<vmem>>, vector<16xf32>,
        %mul3A_241 = arith.constant 2 : i32
        %mul3A_242 = arith.muli %mul3A_241, %scan3A_146 : i32
        %get3A_243 = arith.index_cast %mul3A_242 : i32 to index
        %get3A_244 = arith.constant 48 : index
        %get3A_245 = tpu.vector_load %arg13[%get3A_243, %get3A_244] {strides = array<i32>} : memref<128x64xf32, #tpu.memory_space<vmem>>, vector<1x16xf32>,
        %get3A_246 = vector.shape_cast %get3A_245 : vector<1x16xf32> to vector<16xf32>
        %mul3A_247 = arith.constant 128 : i32
        %mul3A_248 = arith.muli %scan3A_146, %mul3A_247 : i32
        %add3A_249 = arith.constant 48 : i32
        %add3A_250 = arith.addi %mul3A_248, %add3A_249 : i32
        %swap3A_251 = arith.index_cast %add3A_250 : i32 to index
        %swap3A_252 = tpu.vector_load %arg17[%swap3A_251] {strides = array<i32>} : memref<8192xf32, #tpu.memory_space<vmem>>, vector<16xf32>,
        %swap3A_253 = vector.shape_cast %swap3A_252 : vector<16xf32> to vector<16xf32>
        %swap3A_254 = vector.shape_cast %get3A_246 : vector<16xf32> to vector<16xf32>
        tpu.vector_store %arg17[%swap3A_251], %swap3A_254 {strides = array<i32>} : memref<8192xf32, #tpu.memory_space<vmem>>, vector<16xf32>,
        %mul3A_255 = arith.constant 2 : i32
        %mul3A_256 = arith.muli %mul3A_255, %scan3A_146 : i32
        %add3A_257 = arith.constant 1 : i32
        %add3A_258 = arith.addi %mul3A_256, %add3A_257 : i32
        %get3A_259 = arith.index_cast %add3A_258 : i32 to index
        %get3A_260 = arith.constant 48 : index
        %get3A_261 = tpu.vector_load %arg13[%get3A_259, %get3A_260] {strides = array<i32>} : memref<128x64xf32, #tpu.memory_space<vmem>>, vector<1x16xf32>,
        %get3A_262 = vector.shape_cast %get3A_261 : vector<1x16xf32> to vector<16xf32>
        %mul3A_263 = arith.constant 128 : i32
        %mul3A_264 = arith.muli %scan3A_146, %mul3A_263 : i32
        %add3A_265 = arith.constant 64 : i32
        %add3A_266 = arith.addi %mul3A_264, %add3A_265 : i32
        %add3A_267 = arith.constant 48 : i32
        %add3A_268 = arith.addi %add3A_266, %add3A_267 : i32
        %swap3A_269 = arith.index_cast %add3A_268 : i32 to index
        %swap3A_270 = tpu.vector_load %arg17[%swap3A_269] {strides = array<i32>} : memref<8192xf32, #tpu.memory_space<vmem>>, vector<16xf32>,
        %swap3A_271 = vector.shape_cast %swap3A_270 : vector<16xf32> to vector<16xf32>
        %swap3A_272 = vector.shape_cast %get3A_262 : vector<16xf32> to vector<16xf32>
        tpu.vector_store %arg17[%swap3A_269], %swap3A_272 {strides = array<i32>} : memref<8192xf32, #tpu.memory_space<vmem>>, vector<16xf32>,
      }
      %scan3A_113 = arith.constant 64 : i32
      %add3A_114 = arith.constant 0 : i32
      %add3A_115 = arith.addi %add3A_49, %add3A_114 : i32
      %mul3A_116 = arith.constant 64 : i32
      %mul3A_117 = arith.muli %add3A_115, %mul3A_116 : i32
      %dma_start3A_118 = tpu.memref_slice %arg7[%mul3A_117] : memref<8388608xf32, #tpu.memory_space<hbm>> -> memref<8192xf32, #tpu.memory_space<hbm>>
      %dma_start3A_119 = tpu.memref_slice %arg7[%mul3A_117] : memref<8388608xf32, #tpu.memory_space<hbm>> -> memref<8192xf32, #tpu.memory_space<hbm>>
      tpu.enqueue_dma source(%arg14 : memref<8192xf32, #tpu.memory_space<vmem>>) target(%dma_start3A_119 : memref<8192xf32, #tpu.memory_space<hbm>>) target_semaphore(%arg19 : memref<!tpu.dma_semaphore, #tpu.memory_space<semaphore_mem>>)
      %add3A_120 = arith.constant 128 : i32
      %add3A_121 = arith.addi %add3A_49, %add3A_120 : i32
      %mul3A_122 = arith.constant 64 : i32
      %mul3A_123 = arith.muli %add3A_121, %mul3A_122 : i32
      %dma_start3A_124 = tpu.memref_slice %arg7[%mul3A_123] : memref<8388608xf32, #tpu.memory_space<hbm>> -> memref<8192xf32, #tpu.memory_space<hbm>>
      %dma_start3A_125 = tpu.memref_slice %arg7[%mul3A_123] : memref<8388608xf32, #tpu.memory_space<hbm>> -> memref<8192xf32, #tpu.memory_space<hbm>>
      tpu.enqueue_dma source(%arg15 : memref<8192xf32, #tpu.memory_space<vmem>>) target(%dma_start3A_125 : memref<8192xf32, #tpu.memory_space<hbm>>) target_semaphore(%arg19 : memref<!tpu.dma_semaphore, #tpu.memory_space<semaphore_mem>>)
      %add3A_126 = arith.constant 256 : i32
      %add3A_127 = arith.addi %add3A_49, %add3A_126 : i32
      %mul3A_128 = arith.constant 64 : i32
      %mul3A_129 = arith.muli %add3A_127, %mul3A_128 : i32
      %dma_start3A_130 = tpu.memref_slice %arg7[%mul3A_129] : memref<8388608xf32, #tpu.memory_space<hbm>> -> memref<8192xf32, #tpu.memory_space<hbm>>
      %dma_start3A_131 = tpu.memref_slice %arg7[%mul3A_129] : memref<8388608xf32, #tpu.memory_space<hbm>> -> memref<8192xf32, #tpu.memory_space<hbm>>
      tpu.enqueue_dma source(%arg16 : memref<8192xf32, #tpu.memory_space<vmem>>) target(%dma_start3A_131 : memref<8192xf32, #tpu.memory_space<hbm>>) target_semaphore(%arg19 : memref<!tpu.dma_semaphore, #tpu.memory_space<semaphore_mem>>)
      %add3A_132 = arith.constant 384 : i32
      %add3A_133 = arith.addi %add3A_49, %add3A_132 : i32
      %mul3A_134 = arith.constant 64 : i32
      %mul3A_135 = arith.muli %add3A_133, %mul3A_134 : i32
      %dma_start3A_136 = tpu.memref_slice %arg7[%mul3A_135] : memref<8388608xf32, #tpu.memory_space<hbm>> -> memref<8192xf32, #tpu.memory_space<hbm>>
      %dma_start3A_137 = tpu.memref_slice %arg7[%mul3A_135] : memref<8388608xf32, #tpu.memory_space<hbm>> -> memref<8192xf32, #tpu.memory_space<hbm>>
      tpu.enqueue_dma source(%arg17 : memref<8192xf32, #tpu.memory_space<vmem>>) target(%dma_start3A_137 : memref<8192xf32, #tpu.memory_space<hbm>>) target_semaphore(%arg19 : memref<!tpu.dma_semaphore, #tpu.memory_space<semaphore_mem>>)
      %dma_wait3A_138 = tpu.memref_slice %arg7[%mul3A_117] : memref<8388608xf32, #tpu.memory_space<hbm>> -> memref<8192xf32, #tpu.memory_space<hbm>>
      %dma_wait3A_139 = tpu.memref_slice %arg7[%mul3A_117] : memref<8388608xf32, #tpu.memory_space<hbm>> -> memref<8192xf32, #tpu.memory_space<hbm>>
      tpu.wait_dma2 semaphore(%arg19 : memref<!tpu.dma_semaphore, #tpu.memory_space<semaphore_mem>>) src(%arg14 : memref<8192xf32, #tpu.memory_space<vmem>>) dst(%dma_wait3A_139 : memref<8192xf32, #tpu.memory_space<hbm>>)
      %dma_wait3A_140 = tpu.memref_slice %arg7[%mul3A_123] : memref<8388608xf32, #tpu.memory_space<hbm>> -> memref<8192xf32, #tpu.memory_space<hbm>>
      %dma_wait3A_141 = tpu.memref_slice %arg7[%mul3A_123] : memref<8388608xf32, #tpu.memory_space<hbm>> -> memref<8192xf32, #tpu.memory_space<hbm>>
      tpu.wait_dma2 semaphore(%arg19 : memref<!tpu.dma_semaphore, #tpu.memory_space<semaphore_mem>>) src(%arg15 : memref<8192xf32, #tpu.memory_space<vmem>>) dst(%dma_wait3A_141 : memref<8192xf32, #tpu.memory_space<hbm>>)
      %dma_wait3A_142 = tpu.memref_slice %arg7[%mul3A_129] : memref<8388608xf32, #tpu.memory_space<hbm>> -> memref<8192xf32, #tpu.memory_space<hbm>>
      %dma_wait3A_143 = tpu.memref_slice %arg7[%mul3A_129] : memref<8388608xf32, #tpu.memory_space<hbm>> -> memref<8192xf32, #tpu.memory_space<hbm>>
      tpu.wait_dma2 semaphore(%arg19 : memref<!tpu.dma_semaphore, #tpu.memory_space<semaphore_mem>>) src(%arg16 : memref<8192xf32, #tpu.memory_space<vmem>>) dst(%dma_wait3A_143 : memref<8192xf32, #tpu.memory_space<hbm>>)
      %dma_wait3A_144 = tpu.memref_slice %arg7[%mul3A_135] : memref<8388608xf32, #tpu.memory_space<hbm>> -> memref<8192xf32, #tpu.memory_space<hbm>>
      %dma_wait3A_145 = tpu.memref_slice %arg7[%mul3A_135] : memref<8388608xf32, #tpu.memory_space<hbm>> -> memref<8192xf32, #tpu.memory_space<hbm>>
      tpu.wait_dma2 semaphore(%arg19 : memref<!tpu.dma_semaphore, #tpu.memory_space<semaphore_mem>>) src(%arg17 : memref<8192xf32, #tpu.memory_space<vmem>>) dst(%dma_wait3A_145 : memref<8192xf32, #tpu.memory_space<hbm>>)
    }
    %scan3A_7 = arith.constant 8 : i32
    %mul3A_8 = arith.constant 128 : i32
    %mul3A_9 = arith.muli %add3A, %mul3A_8 : i32
    "tpu.region"() ({
      %run_scoped3A = tpu.sem_alloc : memref<!tpu.dma_semaphore, #tpu.memory_space<semaphore_mem>>
      %dma_start3A_46 = arith.constant 0 : i32
      %dma_start3A_47 = tpu.memref_slice %arg9[%dma_start3A_46] : memref<512xi32, #tpu.memory_space<vmem>> -> memref<128xi32, #tpu.memory_space<vmem>>
      %dma_start3A_48 = tpu.memref_slice %arg5[%mul3A_9] : memref<4096xi32, #tpu.memory_space<hbm>> -> memref<128xi32, #tpu.memory_space<hbm>>
      %dma_start3A_49 = arith.constant 0 : i32
      %dma_start3A_50 = tpu.memref_slice %arg9[%dma_start3A_49] : memref<512xi32, #tpu.memory_space<vmem>> -> memref<128xi32, #tpu.memory_space<vmem>>
      %dma_start3A_51 = tpu.memref_slice %arg5[%mul3A_9] : memref<4096xi32, #tpu.memory_space<hbm>> -> memref<128xi32, #tpu.memory_space<hbm>>
      tpu.enqueue_dma source(%dma_start3A_51 : memref<128xi32, #tpu.memory_space<hbm>>) target(%dma_start3A_50 : memref<128xi32, #tpu.memory_space<vmem>>) target_semaphore(%run_scoped3A : memref<!tpu.dma_semaphore, #tpu.memory_space<semaphore_mem>>)
      %dma_wait3A_52 = arith.constant 0 : i32
      %dma_wait3A_53 = tpu.memref_slice %arg9[%dma_wait3A_52] : memref<512xi32, #tpu.memory_space<vmem>> -> memref<128xi32, #tpu.memory_space<vmem>>
      %dma_wait3A_54 = tpu.memref_slice %arg5[%mul3A_9] : memref<4096xi32, #tpu.memory_space<hbm>> -> memref<128xi32, #tpu.memory_space<hbm>>
      %dma_wait3A_55 = arith.constant 0 : i32
      %dma_wait3A_56 = tpu.memref_slice %arg9[%dma_wait3A_55] : memref<512xi32, #tpu.memory_space<vmem>> -> memref<128xi32, #tpu.memory_space<vmem>>
      %dma_wait3A_57 = tpu.memref_slice %arg5[%mul3A_9] : memref<4096xi32, #tpu.memory_space<hbm>> -> memref<128xi32, #tpu.memory_space<hbm>>
      tpu.wait_dma2 semaphore(%run_scoped3A : memref<!tpu.dma_semaphore, #tpu.memory_space<semaphore_mem>>) src(%dma_wait3A_57 : memref<128xi32, #tpu.memory_space<hbm>>) dst(%dma_wait3A_56 : memref<128xi32, #tpu.memory_space<vmem>>)
      tpu.yield
    }) : () -> ()
    "tpu.region"() ({
      %run_scoped3A = tpu.sem_alloc : memref<!tpu.dma_semaphore, #tpu.memory_space<semaphore_mem>>
      %dma_start3A_46 = arith.constant 128 : i32
      %dma_start3A_47 = tpu.memref_slice %arg9[%dma_start3A_46] : memref<512xi32, #tpu.memory_space<vmem>> -> memref<128xi32, #tpu.memory_space<vmem>>
      %dma_start3A_48 = tpu.memref_slice %arg6[%mul3A_9] : memref<4096xi32, #tpu.memory_space<hbm>> -> memref<128xi32, #tpu.memory_space<hbm>>
      %dma_start3A_49 = arith.constant 128 : i32
      %dma_start3A_50 = tpu.memref_slice %arg9[%dma_start3A_49] : memref<512xi32, #tpu.memory_space<vmem>> -> memref<128xi32, #tpu.memory_space<vmem>>
      %dma_start3A_51 = tpu.memref_slice %arg6[%mul3A_9] : memref<4096xi32, #tpu.memory_space<hbm>> -> memref<128xi32, #tpu.memory_space<hbm>>
      tpu.enqueue_dma source(%dma_start3A_51 : memref<128xi32, #tpu.memory_space<hbm>>) target(%dma_start3A_50 : memref<128xi32, #tpu.memory_space<vmem>>) target_semaphore(%run_scoped3A : memref<!tpu.dma_semaphore, #tpu.memory_space<semaphore_mem>>)
      %dma_wait3A_52 = arith.constant 128 : i32
      %dma_wait3A_53 = tpu.memref_slice %arg9[%dma_wait3A_52] : memref<512xi32, #tpu.memory_space<vmem>> -> memref<128xi32, #tpu.memory_space<vmem>>
      %dma_wait3A_54 = tpu.memref_slice %arg6[%mul3A_9] : memref<4096xi32, #tpu.memory_space<hbm>> -> memref<128xi32, #tpu.memory_space<hbm>>
      %dma_wait3A_55 = arith.constant 128 : i32
      %dma_wait3A_56 = tpu.memref_slice %arg9[%dma_wait3A_55] : memref<512xi32, #tpu.memory_space<vmem>> -> memref<128xi32, #tpu.memory_space<vmem>>
      %dma_wait3A_57 = tpu.memref_slice %arg6[%mul3A_9] : memref<4096xi32, #tpu.memory_space<hbm>> -> memref<128xi32, #tpu.memory_space<hbm>>
      tpu.wait_dma2 semaphore(%run_scoped3A : memref<!tpu.dma_semaphore, #tpu.memory_space<semaphore_mem>>) src(%dma_wait3A_57 : memref<128xi32, #tpu.memory_space<hbm>>) dst(%dma_wait3A_56 : memref<128xi32, #tpu.memory_space<vmem>>)
      tpu.yield
    }) : () -> ()
    %dma_start3A = arith.constant 0 : i32
    %dma_start3A_10 = tpu.memref_slice %arg9[%dma_start3A] : memref<512xi32, #tpu.memory_space<vmem>> -> memref<128xi32, #tpu.memory_space<vmem>>
    %dma_start3A_11 = arith.constant 0 : i32
    %dma_start3A_12 = arith.constant 0 : i32
    %dma_start3A_13 = tpu.memref_slice %arg2[%dma_start3A_11, %dma_start3A_12] : memref<1000501x64xf32, #tpu.memory_space<hbm>> -> memref<1000501x64xf32, #tpu.memory_space<hbm>>
    tpu.enqueue_indirect_dma source(%dma_start3A_13 : memref<1000501x64xf32, #tpu.memory_space<hbm>>) target(%arg10 : memref<128x64xf32, #tpu.memory_space<vmem>>) offsets(%dma_start3A_10 : memref<128xi32, #tpu.memory_space<vmem>>) semaphore(%arg18 : memref<!tpu.dma_semaphore, #tpu.memory_space<semaphore_mem>>)
    %dma_start3A_14 = arith.constant 128 : i32
    %dma_start3A_15 = tpu.memref_slice %arg9[%dma_start3A_14] : memref<512xi32, #tpu.memory_space<vmem>> -> memref<128xi32, #tpu.memory_space<vmem>>
    %dma_start3A_16 = arith.constant 0 : i32
    %dma_start3A_17 = arith.constant 0 : i32
    %dma_start3A_18 = tpu.memref_slice %arg3[%dma_start3A_16, %dma_start3A_17] : memref<501x64xf32, #tpu.memory_space<hbm>> -> memref<501x64xf32, #tpu.memory_space<hbm>>
    tpu.enqueue_indirect_dma source(%dma_start3A_18 : memref<501x64xf32, #tpu.memory_space<hbm>>) target(%arg11 : memref<128x64xf32, #tpu.memory_space<vmem>>) offsets(%dma_start3A_15 : memref<128xi32, #tpu.memory_space<vmem>>) semaphore(%arg18 : memref<!tpu.dma_semaphore, #tpu.memory_space<semaphore_mem>>)
    %dma_wait3A = arith.constant 0 : i32
    %dma_wait3A_19 = tpu.memref_slice %arg9[%dma_wait3A] : memref<512xi32, #tpu.memory_space<vmem>> -> memref<128xi32, #tpu.memory_space<vmem>>
    %dma_wait3A_20 = arith.constant 0 : i32
    %dma_wait3A_21 = arith.constant 0 : i32
    %dma_wait3A_22 = tpu.memref_slice %arg2[%dma_wait3A_20, %dma_wait3A_21] : memref<1000501x64xf32, #tpu.memory_space<hbm>> -> memref<1000501x64xf32, #tpu.memory_space<hbm>>
    tpu.wait_indirect_dma semaphore(%arg18 : memref<!tpu.dma_semaphore, #tpu.memory_space<semaphore_mem>>) src(%dma_wait3A_22 : memref<1000501x64xf32, #tpu.memory_space<hbm>>) dst(%arg10 : memref<128x64xf32, #tpu.memory_space<vmem>>)
    %dma_wait3A_23 = arith.constant 128 : i32
    %dma_wait3A_24 = tpu.memref_slice %arg9[%dma_wait3A_23] : memref<512xi32, #tpu.memory_space<vmem>> -> memref<128xi32, #tpu.memory_space<vmem>>
    %dma_wait3A_25 = arith.constant 0 : i32
    %dma_wait3A_26 = arith.constant 0 : i32
    %dma_wait3A_27 = tpu.memref_slice %arg3[%dma_wait3A_25, %dma_wait3A_26] : memref<501x64xf32, #tpu.memory_space<hbm>> -> memref<501x64xf32, #tpu.memory_space<hbm>>
    tpu.wait_indirect_dma semaphore(%arg18 : memref<!tpu.dma_semaphore, #tpu.memory_space<semaphore_mem>>) src(%dma_wait3A_27 : memref<501x64xf32, #tpu.memory_space<hbm>>) dst(%arg11 : memref<128x64xf32, #tpu.memory_space<vmem>>)
    %scan3A_28 = arith.constant 0 : i32
    %scan3A_29 = arith.constant 0 : i32
    %scan3A_30 = arith.constant 64 : i32
    %scan3A_31 = arith.addi %scan3A_29, %scan3A_30 : i32
    %scan3A_32 = arith.constant 1 : i32
    scf.for %scan3A_46 = %scan3A_29 to %scan3A_31 step %scan3A_32  : i32 {
      %get3A = arith.index_cast %scan3A_46 : i32 to index
      %get3A_47 = arith.constant 0 : index
      %get3A_48 = tpu.vector_load %arg10[%get3A, %get3A_47] {strides = array<i32>} : memref<128x64xf32, #tpu.memory_space<vmem>>, vector<1x16xf32>,
      %get3A_49 = vector.shape_cast %get3A_48 : vector<1x16xf32> to vector<16xf32>
      %mul3A_50 = arith.constant 128 : i32
      %mul3A_51 = arith.muli %scan3A_46, %mul3A_50 : i32
      %add3A_52 = arith.constant 0 : i32
      %add3A_53 = arith.addi %mul3A_51, %add3A_52 : i32
      %swap3A = arith.index_cast %add3A_53 : i32 to index
      %swap3A_54 = tpu.vector_load %arg14[%swap3A] {strides = array<i32>} : memref<8192xf32, #tpu.memory_space<vmem>>, vector<16xf32>,
      %swap3A_55 = vector.shape_cast %swap3A_54 : vector<16xf32> to vector<16xf32>
      %swap3A_56 = vector.shape_cast %get3A_49 : vector<16xf32> to vector<16xf32>
      tpu.vector_store %arg14[%swap3A], %swap3A_56 {strides = array<i32>} : memref<8192xf32, #tpu.memory_space<vmem>>, vector<16xf32>,
      %get3A_57 = arith.index_cast %scan3A_46 : i32 to index
      %get3A_58 = arith.constant 0 : index
      %get3A_59 = tpu.vector_load %arg11[%get3A_57, %get3A_58] {strides = array<i32>} : memref<128x64xf32, #tpu.memory_space<vmem>>, vector<1x16xf32>,
      %get3A_60 = vector.shape_cast %get3A_59 : vector<1x16xf32> to vector<16xf32>
      %mul3A_61 = arith.constant 128 : i32
      %mul3A_62 = arith.muli %scan3A_46, %mul3A_61 : i32
      %add3A_63 = arith.constant 64 : i32
      %add3A_64 = arith.addi %mul3A_62, %add3A_63 : i32
      %add3A_65 = arith.constant 0 : i32
      %add3A_66 = arith.addi %add3A_64, %add3A_65 : i32
      %swap3A_67 = arith.index_cast %add3A_66 : i32 to index
      %swap3A_68 = tpu.vector_load %arg14[%swap3A_67] {strides = array<i32>} : memref<8192xf32, #tpu.memory_space<vmem>>, vector<16xf32>,
      %swap3A_69 = vector.shape_cast %swap3A_68 : vector<16xf32> to vector<16xf32>
      %swap3A_70 = vector.shape_cast %get3A_60 : vector<16xf32> to vector<16xf32>
      tpu.vector_store %arg14[%swap3A_67], %swap3A_70 {strides = array<i32>} : memref<8192xf32, #tpu.memory_space<vmem>>, vector<16xf32>,
      %get3A_71 = arith.index_cast %scan3A_46 : i32 to index
      %get3A_72 = arith.constant 16 : index
      %get3A_73 = tpu.vector_load %arg10[%get3A_71, %get3A_72] {strides = array<i32>} : memref<128x64xf32, #tpu.memory_space<vmem>>, vector<1x16xf32>,
      %get3A_74 = vector.shape_cast %get3A_73 : vector<1x16xf32> to vector<16xf32>
      %mul3A_75 = arith.constant 128 : i32
      %mul3A_76 = arith.muli %scan3A_46, %mul3A_75 : i32
      %add3A_77 = arith.constant 16 : i32
      %add3A_78 = arith.addi %mul3A_76, %add3A_77 : i32
      %swap3A_79 = arith.index_cast %add3A_78 : i32 to index
      %swap3A_80 = tpu.vector_load %arg14[%swap3A_79] {strides = array<i32>} : memref<8192xf32, #tpu.memory_space<vmem>>, vector<16xf32>,
      %swap3A_81 = vector.shape_cast %swap3A_80 : vector<16xf32> to vector<16xf32>
      %swap3A_82 = vector.shape_cast %get3A_74 : vector<16xf32> to vector<16xf32>
      tpu.vector_store %arg14[%swap3A_79], %swap3A_82 {strides = array<i32>} : memref<8192xf32, #tpu.memory_space<vmem>>, vector<16xf32>,
      %get3A_83 = arith.index_cast %scan3A_46 : i32 to index
      %get3A_84 = arith.constant 16 : index
      %get3A_85 = tpu.vector_load %arg11[%get3A_83, %get3A_84] {strides = array<i32>} : memref<128x64xf32, #tpu.memory_space<vmem>>, vector<1x16xf32>,
      %get3A_86 = vector.shape_cast %get3A_85 : vector<1x16xf32> to vector<16xf32>
      %mul3A_87 = arith.constant 128 : i32
      %mul3A_88 = arith.muli %scan3A_46, %mul3A_87 : i32
      %add3A_89 = arith.constant 64 : i32
      %add3A_90 = arith.addi %mul3A_88, %add3A_89 : i32
      %add3A_91 = arith.constant 16 : i32
      %add3A_92 = arith.addi %add3A_90, %add3A_91 : i32
      %swap3A_93 = arith.index_cast %add3A_92 : i32 to index
      %swap3A_94 = tpu.vector_load %arg14[%swap3A_93] {strides = array<i32>} : memref<8192xf32, #tpu.memory_space<vmem>>, vector<16xf32>,
      %swap3A_95 = vector.shape_cast %swap3A_94 : vector<16xf32> to vector<16xf32>
      %swap3A_96 = vector.shape_cast %get3A_86 : vector<16xf32> to vector<16xf32>
      tpu.vector_store %arg14[%swap3A_93], %swap3A_96 {strides = array<i32>} : memref<8192xf32, #tpu.memory_space<vmem>>, vector<16xf32>,
      %get3A_97 = arith.index_cast %scan3A_46 : i32 to index
      %get3A_98 = arith.constant 32 : index
      %get3A_99 = tpu.vector_load %arg10[%get3A_97, %get3A_98] {strides = array<i32>} : memref<128x64xf32, #tpu.memory_space<vmem>>, vector<1x16xf32>,
      %get3A_100 = vector.shape_cast %get3A_99 : vector<1x16xf32> to vector<16xf32>
      %mul3A_101 = arith.constant 128 : i32
      %mul3A_102 = arith.muli %scan3A_46, %mul3A_101 : i32
      %add3A_103 = arith.constant 32 : i32
      %add3A_104 = arith.addi %mul3A_102, %add3A_103 : i32
      %swap3A_105 = arith.index_cast %add3A_104 : i32 to index
      %swap3A_106 = tpu.vector_load %arg14[%swap3A_105] {strides = array<i32>} : memref<8192xf32, #tpu.memory_space<vmem>>, vector<16xf32>,
      %swap3A_107 = vector.shape_cast %swap3A_106 : vector<16xf32> to vector<16xf32>
      %swap3A_108 = vector.shape_cast %get3A_100 : vector<16xf32> to vector<16xf32>
      tpu.vector_store %arg14[%swap3A_105], %swap3A_108 {strides = array<i32>} : memref<8192xf32, #tpu.memory_space<vmem>>, vector<16xf32>,
      %get3A_109 = arith.index_cast %scan3A_46 : i32 to index
      %get3A_110 = arith.constant 32 : index
      %get3A_111 = tpu.vector_load %arg11[%get3A_109, %get3A_110] {strides = array<i32>} : memref<128x64xf32, #tpu.memory_space<vmem>>, vector<1x16xf32>,
      %get3A_112 = vector.shape_cast %get3A_111 : vector<1x16xf32> to vector<16xf32>
      %mul3A_113 = arith.constant 128 : i32
      %mul3A_114 = arith.muli %scan3A_46, %mul3A_113 : i32
      %add3A_115 = arith.constant 64 : i32
      %add3A_116 = arith.addi %mul3A_114, %add3A_115 : i32
      %add3A_117 = arith.constant 32 : i32
      %add3A_118 = arith.addi %add3A_116, %add3A_117 : i32
      %swap3A_119 = arith.index_cast %add3A_118 : i32 to index
      %swap3A_120 = tpu.vector_load %arg14[%swap3A_119] {strides = array<i32>} : memref<8192xf32, #tpu.memory_space<vmem>>, vector<16xf32>,
      %swap3A_121 = vector.shape_cast %swap3A_120 : vector<16xf32> to vector<16xf32>
      %swap3A_122 = vector.shape_cast %get3A_112 : vector<16xf32> to vector<16xf32>
      tpu.vector_store %arg14[%swap3A_119], %swap3A_122 {strides = array<i32>} : memref<8192xf32, #tpu.memory_space<vmem>>, vector<16xf32>,
      %get3A_123 = arith.index_cast %scan3A_46 : i32 to index
      %get3A_124 = arith.constant 48 : index
      %get3A_125 = tpu.vector_load %arg10[%get3A_123, %get3A_124] {strides = array<i32>} : memref<128x64xf32, #tpu.memory_space<vmem>>, vector<1x16xf32>,
      %get3A_126 = vector.shape_cast %get3A_125 : vector<1x16xf32> to vector<16xf32>
      %mul3A_127 = arith.constant 128 : i32
      %mul3A_128 = arith.muli %scan3A_46, %mul3A_127 : i32
      %add3A_129 = arith.constant 48 : i32
      %add3A_130 = arith.addi %mul3A_128, %add3A_129 : i32
      %swap3A_131 = arith.index_cast %add3A_130 : i32 to index
      %swap3A_132 = tpu.vector_load %arg14[%swap3A_131] {strides = array<i32>} : memref<8192xf32, #tpu.memory_space<vmem>>, vector<16xf32>,
      %swap3A_133 = vector.shape_cast %swap3A_132 : vector<16xf32> to vector<16xf32>
      %swap3A_134 = vector.shape_cast %get3A_126 : vector<16xf32> to vector<16xf32>
      tpu.vector_store %arg14[%swap3A_131], %swap3A_134 {strides = array<i32>} : memref<8192xf32, #tpu.memory_space<vmem>>, vector<16xf32>,
      %get3A_135 = arith.index_cast %scan3A_46 : i32 to index
      %get3A_136 = arith.constant 48 : index
      %get3A_137 = tpu.vector_load %arg11[%get3A_135, %get3A_136] {strides = array<i32>} : memref<128x64xf32, #tpu.memory_space<vmem>>, vector<1x16xf32>,
      %get3A_138 = vector.shape_cast %get3A_137 : vector<1x16xf32> to vector<16xf32>
      %mul3A_139 = arith.constant 128 : i32
      %mul3A_140 = arith.muli %scan3A_46, %mul3A_139 : i32
      %add3A_141 = arith.constant 64 : i32
      %add3A_142 = arith.addi %mul3A_140, %add3A_141 : i32
      %add3A_143 = arith.constant 48 : i32
      %add3A_144 = arith.addi %add3A_142, %add3A_143 : i32
      %swap3A_145 = arith.index_cast %add3A_144 : i32 to index
      %swap3A_146 = tpu.vector_load %arg14[%swap3A_145] {strides = array<i32>} : memref<8192xf32, #tpu.memory_space<vmem>>, vector<16xf32>,
      %swap3A_147 = vector.shape_cast %swap3A_146 : vector<16xf32> to vector<16xf32>
      %swap3A_148 = vector.shape_cast %get3A_138 : vector<16xf32> to vector<16xf32>
      tpu.vector_store %arg14[%swap3A_145], %swap3A_148 {strides = array<i32>} : memref<8192xf32, #tpu.memory_space<vmem>>, vector<16xf32>,
    }
    %scan3A_33 = arith.constant 64 : i32
    %scan3A_34 = arith.constant 0 : i32
    %scan3A_35 = arith.constant 0 : i32
    %scan3A_36 = arith.constant 64 : i32
    %scan3A_37 = arith.addi %scan3A_35, %scan3A_36 : i32
    %scan3A_38 = arith.constant 1 : i32
    scf.for %scan3A_46 = %scan3A_35 to %scan3A_37 step %scan3A_38  : i32 {
      %add3A_47 = arith.constant 64 : i32
      %add3A_48 = arith.addi %add3A_47, %scan3A_46 : i32
      %get3A = arith.index_cast %add3A_48 : i32 to index
      %get3A_49 = arith.constant 0 : index
      %get3A_50 = tpu.vector_load %arg10[%get3A, %get3A_49] {strides = array<i32>} : memref<128x64xf32, #tpu.memory_space<vmem>>, vector<1x16xf32>,
      %get3A_51 = vector.shape_cast %get3A_50 : vector<1x16xf32> to vector<16xf32>
      %mul3A_52 = arith.constant 128 : i32
      %mul3A_53 = arith.muli %scan3A_46, %mul3A_52 : i32
      %add3A_54 = arith.constant 0 : i32
      %add3A_55 = arith.addi %mul3A_53, %add3A_54 : i32
      %swap3A = arith.index_cast %add3A_55 : i32 to index
      %swap3A_56 = tpu.vector_load %arg15[%swap3A] {strides = array<i32>} : memref<8192xf32, #tpu.memory_space<vmem>>, vector<16xf32>,
      %swap3A_57 = vector.shape_cast %swap3A_56 : vector<16xf32> to vector<16xf32>
      %swap3A_58 = vector.shape_cast %get3A_51 : vector<16xf32> to vector<16xf32>
      tpu.vector_store %arg15[%swap3A], %swap3A_58 {strides = array<i32>} : memref<8192xf32, #tpu.memory_space<vmem>>, vector<16xf32>,
      %add3A_59 = arith.constant 64 : i32
      %add3A_60 = arith.addi %add3A_59, %scan3A_46 : i32
      %get3A_61 = arith.index_cast %add3A_60 : i32 to index
      %get3A_62 = arith.constant 0 : index
      %get3A_63 = tpu.vector_load %arg11[%get3A_61, %get3A_62] {strides = array<i32>} : memref<128x64xf32, #tpu.memory_space<vmem>>, vector<1x16xf32>,
      %get3A_64 = vector.shape_cast %get3A_63 : vector<1x16xf32> to vector<16xf32>
      %mul3A_65 = arith.constant 128 : i32
      %mul3A_66 = arith.muli %scan3A_46, %mul3A_65 : i32
      %add3A_67 = arith.constant 64 : i32
      %add3A_68 = arith.addi %mul3A_66, %add3A_67 : i32
      %add3A_69 = arith.constant 0 : i32
      %add3A_70 = arith.addi %add3A_68, %add3A_69 : i32
      %swap3A_71 = arith.index_cast %add3A_70 : i32 to index
      %swap3A_72 = tpu.vector_load %arg15[%swap3A_71] {strides = array<i32>} : memref<8192xf32, #tpu.memory_space<vmem>>, vector<16xf32>,
      %swap3A_73 = vector.shape_cast %swap3A_72 : vector<16xf32> to vector<16xf32>
      %swap3A_74 = vector.shape_cast %get3A_64 : vector<16xf32> to vector<16xf32>
      tpu.vector_store %arg15[%swap3A_71], %swap3A_74 {strides = array<i32>} : memref<8192xf32, #tpu.memory_space<vmem>>, vector<16xf32>,
      %add3A_75 = arith.constant 64 : i32
      %add3A_76 = arith.addi %add3A_75, %scan3A_46 : i32
      %get3A_77 = arith.index_cast %add3A_76 : i32 to index
      %get3A_78 = arith.constant 16 : index
      %get3A_79 = tpu.vector_load %arg10[%get3A_77, %get3A_78] {strides = array<i32>} : memref<128x64xf32, #tpu.memory_space<vmem>>, vector<1x16xf32>,
      %get3A_80 = vector.shape_cast %get3A_79 : vector<1x16xf32> to vector<16xf32>
      %mul3A_81 = arith.constant 128 : i32
      %mul3A_82 = arith.muli %scan3A_46, %mul3A_81 : i32
      %add3A_83 = arith.constant 16 : i32
      %add3A_84 = arith.addi %mul3A_82, %add3A_83 : i32
      %swap3A_85 = arith.index_cast %add3A_84 : i32 to index
      %swap3A_86 = tpu.vector_load %arg15[%swap3A_85] {strides = array<i32>} : memref<8192xf32, #tpu.memory_space<vmem>>, vector<16xf32>,
      %swap3A_87 = vector.shape_cast %swap3A_86 : vector<16xf32> to vector<16xf32>
      %swap3A_88 = vector.shape_cast %get3A_80 : vector<16xf32> to vector<16xf32>
      tpu.vector_store %arg15[%swap3A_85], %swap3A_88 {strides = array<i32>} : memref<8192xf32, #tpu.memory_space<vmem>>, vector<16xf32>,
      %add3A_89 = arith.constant 64 : i32
      %add3A_90 = arith.addi %add3A_89, %scan3A_46 : i32
      %get3A_91 = arith.index_cast %add3A_90 : i32 to index
      %get3A_92 = arith.constant 16 : index
      %get3A_93 = tpu.vector_load %arg11[%get3A_91, %get3A_92] {strides = array<i32>} : memref<128x64xf32, #tpu.memory_space<vmem>>, vector<1x16xf32>,
      %get3A_94 = vector.shape_cast %get3A_93 : vector<1x16xf32> to vector<16xf32>
      %mul3A_95 = arith.constant 128 : i32
      %mul3A_96 = arith.muli %scan3A_46, %mul3A_95 : i32
      %add3A_97 = arith.constant 64 : i32
      %add3A_98 = arith.addi %mul3A_96, %add3A_97 : i32
      %add3A_99 = arith.constant 16 : i32
      %add3A_100 = arith.addi %add3A_98, %add3A_99 : i32
      %swap3A_101 = arith.index_cast %add3A_100 : i32 to index
      %swap3A_102 = tpu.vector_load %arg15[%swap3A_101] {strides = array<i32>} : memref<8192xf32, #tpu.memory_space<vmem>>, vector<16xf32>,
      %swap3A_103 = vector.shape_cast %swap3A_102 : vector<16xf32> to vector<16xf32>
      %swap3A_104 = vector.shape_cast %get3A_94 : vector<16xf32> to vector<16xf32>
      tpu.vector_store %arg15[%swap3A_101], %swap3A_104 {strides = array<i32>} : memref<8192xf32, #tpu.memory_space<vmem>>, vector<16xf32>,
      %add3A_105 = arith.constant 64 : i32
      %add3A_106 = arith.addi %add3A_105, %scan3A_46 : i32
      %get3A_107 = arith.index_cast %add3A_106 : i32 to index
      %get3A_108 = arith.constant 32 : index
      %get3A_109 = tpu.vector_load %arg10[%get3A_107, %get3A_108] {strides = array<i32>} : memref<128x64xf32, #tpu.memory_space<vmem>>, vector<1x16xf32>,
      %get3A_110 = vector.shape_cast %get3A_109 : vector<1x16xf32> to vector<16xf32>
      %mul3A_111 = arith.constant 128 : i32
      %mul3A_112 = arith.muli %scan3A_46, %mul3A_111 : i32
      %add3A_113 = arith.constant 32 : i32
      %add3A_114 = arith.addi %mul3A_112, %add3A_113 : i32
      %swap3A_115 = arith.index_cast %add3A_114 : i32 to index
      %swap3A_116 = tpu.vector_load %arg15[%swap3A_115] {strides = array<i32>} : memref<8192xf32, #tpu.memory_space<vmem>>, vector<16xf32>,
      %swap3A_117 = vector.shape_cast %swap3A_116 : vector<16xf32> to vector<16xf32>
      %swap3A_118 = vector.shape_cast %get3A_110 : vector<16xf32> to vector<16xf32>
      tpu.vector_store %arg15[%swap3A_115], %swap3A_118 {strides = array<i32>} : memref<8192xf32, #tpu.memory_space<vmem>>, vector<16xf32>,
      %add3A_119 = arith.constant 64 : i32
      %add3A_120 = arith.addi %add3A_119, %scan3A_46 : i32
      %get3A_121 = arith.index_cast %add3A_120 : i32 to index
      %get3A_122 = arith.constant 32 : index
      %get3A_123 = tpu.vector_load %arg11[%get3A_121, %get3A_122] {strides = array<i32>} : memref<128x64xf32, #tpu.memory_space<vmem>>, vector<1x16xf32>,
      %get3A_124 = vector.shape_cast %get3A_123 : vector<1x16xf32> to vector<16xf32>
      %mul3A_125 = arith.constant 128 : i32
      %mul3A_126 = arith.muli %scan3A_46, %mul3A_125 : i32
      %add3A_127 = arith.constant 64 : i32
      %add3A_128 = arith.addi %mul3A_126, %add3A_127 : i32
      %add3A_129 = arith.constant 32 : i32
      %add3A_130 = arith.addi %add3A_128, %add3A_129 : i32
      %swap3A_131 = arith.index_cast %add3A_130 : i32 to index
      %swap3A_132 = tpu.vector_load %arg15[%swap3A_131] {strides = array<i32>} : memref<8192xf32, #tpu.memory_space<vmem>>, vector<16xf32>,
      %swap3A_133 = vector.shape_cast %swap3A_132 : vector<16xf32> to vector<16xf32>
      %swap3A_134 = vector.shape_cast %get3A_124 : vector<16xf32> to vector<16xf32>
      tpu.vector_store %arg15[%swap3A_131], %swap3A_134 {strides = array<i32>} : memref<8192xf32, #tpu.memory_space<vmem>>, vector<16xf32>,
      %add3A_135 = arith.constant 64 : i32
      %add3A_136 = arith.addi %add3A_135, %scan3A_46 : i32
      %get3A_137 = arith.index_cast %add3A_136 : i32 to index
      %get3A_138 = arith.constant 48 : index
      %get3A_139 = tpu.vector_load %arg10[%get3A_137, %get3A_138] {strides = array<i32>} : memref<128x64xf32, #tpu.memory_space<vmem>>, vector<1x16xf32>,
      %get3A_140 = vector.shape_cast %get3A_139 : vector<1x16xf32> to vector<16xf32>
      %mul3A_141 = arith.constant 128 : i32
      %mul3A_142 = arith.muli %scan3A_46, %mul3A_141 : i32
      %add3A_143 = arith.constant 48 : i32
      %add3A_144 = arith.addi %mul3A_142, %add3A_143 : i32
      %swap3A_145 = arith.index_cast %add3A_144 : i32 to index
      %swap3A_146 = tpu.vector_load %arg15[%swap3A_145] {strides = array<i32>} : memref<8192xf32, #tpu.memory_space<vmem>>, vector<16xf32>,
      %swap3A_147 = vector.shape_cast %swap3A_146 : vector<16xf32> to vector<16xf32>
      %swap3A_148 = vector.shape_cast %get3A_140 : vector<16xf32> to vector<16xf32>
      tpu.vector_store %arg15[%swap3A_145], %swap3A_148 {strides = array<i32>} : memref<8192xf32, #tpu.memory_space<vmem>>, vector<16xf32>,
      %add3A_149 = arith.constant 64 : i32
      %add3A_150 = arith.addi %add3A_149, %scan3A_46 : i32
      %get3A_151 = arith.index_cast %add3A_150 : i32 to index
      %get3A_152 = arith.constant 48 : index
      %get3A_153 = tpu.vector_load %arg11[%get3A_151, %get3A_152] {strides = array<i32>} : memref<128x64xf32, #tpu.memory_space<vmem>>, vector<1x16xf32>,
      %get3A_154 = vector.shape_cast %get3A_153 : vector<1x16xf32> to vector<16xf32>
      %mul3A_155 = arith.constant 128 : i32
      %mul3A_156 = arith.muli %scan3A_46, %mul3A_155 : i32
      %add3A_157 = arith.constant 64 : i32
      %add3A_158 = arith.addi %mul3A_156, %add3A_157 : i32
      %add3A_159 = arith.constant 48 : i32
      %add3A_160 = arith.addi %add3A_158, %add3A_159 : i32
      %swap3A_161 = arith.index_cast %add3A_160 : i32 to index
      %swap3A_162 = tpu.vector_load %arg15[%swap3A_161] {strides = array<i32>} : memref<8192xf32, #tpu.memory_space<vmem>>, vector<16xf32>,
      %swap3A_163 = vector.shape_cast %swap3A_162 : vector<16xf32> to vector<16xf32>
      %swap3A_164 = vector.shape_cast %get3A_154 : vector<16xf32> to vector<16xf32>
      tpu.vector_store %arg15[%swap3A_161], %swap3A_164 {strides = array<i32>} : memref<8192xf32, #tpu.memory_space<vmem>>, vector<16xf32>,
    }
    %scan3A_39 = arith.constant 64 : i32
    %mul3A_40 = arith.constant 128 : i32
    %mul3A_41 = arith.muli %mul3A_9, %mul3A_40 : i32
    "tpu.region"() ({
      %run_scoped3A = tpu.sem_alloc : memref<!tpu.dma_semaphore, #tpu.memory_space<semaphore_mem>>
      %dma_start3A_46 = tpu.memref_slice %arg8[%mul3A_41] : memref<524288xf32, #tpu.memory_space<hbm>> -> memref<8192xf32, #tpu.memory_space<hbm>>
      %dma_start3A_47 = tpu.memref_slice %arg8[%mul3A_41] : memref<524288xf32, #tpu.memory_space<hbm>> -> memref<8192xf32, #tpu.memory_space<hbm>>
      tpu.enqueue_dma source(%arg14 : memref<8192xf32, #tpu.memory_space<vmem>>) target(%dma_start3A_47 : memref<8192xf32, #tpu.memory_space<hbm>>) target_semaphore(%run_scoped3A : memref<!tpu.dma_semaphore, #tpu.memory_space<semaphore_mem>>)
      %dma_wait3A_48 = tpu.memref_slice %arg8[%mul3A_41] : memref<524288xf32, #tpu.memory_space<hbm>> -> memref<8192xf32, #tpu.memory_space<hbm>>
      %dma_wait3A_49 = tpu.memref_slice %arg8[%mul3A_41] : memref<524288xf32, #tpu.memory_space<hbm>> -> memref<8192xf32, #tpu.memory_space<hbm>>
      tpu.wait_dma2 semaphore(%run_scoped3A : memref<!tpu.dma_semaphore, #tpu.memory_space<semaphore_mem>>) src(%arg14 : memref<8192xf32, #tpu.memory_space<vmem>>) dst(%dma_wait3A_49 : memref<8192xf32, #tpu.memory_space<hbm>>)
      tpu.yield
    }) : () -> ()
    %mul3A_42 = arith.constant 128 : i32
    %mul3A_43 = arith.muli %mul3A_9, %mul3A_42 : i32
    %add3A_44 = arith.constant 8192 : i32
    %add3A_45 = arith.addi %mul3A_43, %add3A_44 : i32
    "tpu.region"() ({
      %run_scoped3A = tpu.sem_alloc : memref<!tpu.dma_semaphore, #tpu.memory_space<semaphore_mem>>
      %dma_start3A_46 = tpu.memref_slice %arg8[%add3A_45] : memref<524288xf32, #tpu.memory_space<hbm>> -> memref<8192xf32, #tpu.memory_space<hbm>>
      %dma_start3A_47 = tpu.memref_slice %arg8[%add3A_45] : memref<524288xf32, #tpu.memory_space<hbm>> -> memref<8192xf32, #tpu.memory_space<hbm>>
      tpu.enqueue_dma source(%arg15 : memref<8192xf32, #tpu.memory_space<vmem>>) target(%dma_start3A_47 : memref<8192xf32, #tpu.memory_space<hbm>>) target_semaphore(%run_scoped3A : memref<!tpu.dma_semaphore, #tpu.memory_space<semaphore_mem>>)
      %dma_wait3A_48 = tpu.memref_slice %arg8[%add3A_45] : memref<524288xf32, #tpu.memory_space<hbm>> -> memref<8192xf32, #tpu.memory_space<hbm>>
      %dma_wait3A_49 = tpu.memref_slice %arg8[%add3A_45] : memref<524288xf32, #tpu.memory_space<hbm>> -> memref<8192xf32, #tpu.memory_space<hbm>>
      tpu.wait_dma2 semaphore(%run_scoped3A : memref<!tpu.dma_semaphore, #tpu.memory_space<semaphore_mem>>) src(%arg15 : memref<8192xf32, #tpu.memory_space<vmem>>) dst(%dma_wait3A_49 : memref<8192xf32, #tpu.memory_space<hbm>>)
      tpu.yield
    }) : () -> ()
    return
  }
}

module attributes {stable_mosaic.version = 14 : i64} {
  func.func @_tc_body(%arg0: i32, %arg1: memref<524288xf32, #tpu.memory_space<vmem>>, %arg2: memref<32768xf32, #tpu.memory_space<vmem>>, %arg3: memref<1x1x4096xi32, #tpu.memory_space<vmem>>, %arg4: memref<1x1x4096xi32, #tpu.memory_space<vmem>>, %arg5: memref<1024x128xbf16, #tpu.memory_space<vmem>>, %arg6: memref<1024x128xbf16, #tpu.memory_space<vmem>>, %arg7: memref<64x64xf32, #tpu.memory_space<vmem>>, %arg8: memref<128x128xf32, #tpu.memory_space<vmem>>, %arg9: memref<128x128xf32, #tpu.memory_space<vmem>>, %arg10: memref<1x128xf32, #tpu.memory_space<vmem>>, %arg11: memref<1x128xf32, #tpu.memory_space<vmem>>, %arg12: memref<1x256x64xf32, #tpu.memory_space<vmem>>) attributes {dimension_semantics = [#tpu.dimension_semantics<arbitrary>], iteration_bounds = array<i64: 16>, scalar_prefetch = 0 : i64, scratch_operands = 0 : i64, tpu.core_type = #tpu.core_type<tc>, window_params = [{transform_indices = @transform_0, window_bounds = array<i64: 524288>}, {transform_indices = @transform_1, window_bounds = array<i64: 32768>}, {transform_indices = @transform_2, window_bounds = array<i64: 1, 1, 4096>}, {transform_indices = @transform_3, window_bounds = array<i64: 1, 1, 4096>}, {pipeline_mode = #tpu.pipeline_mode<synchronous>, transform_indices = @transform_4, window_bounds = array<i64: 1024, 128>}, {pipeline_mode = #tpu.pipeline_mode<synchronous>, transform_indices = @transform_5, window_bounds = array<i64: 1024, 128>}, {pipeline_mode = #tpu.pipeline_mode<synchronous>, transform_indices = @transform_6, window_bounds = array<i64: 64, 64>}, {pipeline_mode = #tpu.pipeline_mode<synchronous>, transform_indices = @transform_7, window_bounds = array<i64: 128, 128>}, {pipeline_mode = #tpu.pipeline_mode<synchronous>, transform_indices = @transform_8, window_bounds = array<i64: 128, 128>}, {pipeline_mode = #tpu.pipeline_mode<synchronous>, transform_indices = @transform_9, window_bounds = array<i64: 1, 128>}, {pipeline_mode = #tpu.pipeline_mode<synchronous>, transform_indices = @transform_10, window_bounds = array<i64: 1, 128>}, {transform_indices = @transform_11, window_bounds = array<i64: 1, 256, 64>}]} {
    %get3A = arith.constant 0 : index
    %get3A_0 = arith.constant 0 : index
    %get3A_1 = arith.constant 0 : index
    %get3A_2 = vector.load %arg3[%get3A, %get3A_0, %get3A_1] : memref<1x1x4096xi32, #tpu.memory_space<vmem>>, vector<1x1x4096xi32>
    %get3A_3 = vector.shape_cast %get3A_2 : vector<1x1x4096xi32> to vector<4096xi32>
    %get3A_4 = arith.constant 0 : index
    %get3A_5 = arith.constant 0 : index
    %get3A_6 = arith.constant 0 : index
    %get3A_7 = vector.load %arg4[%get3A_4, %get3A_5, %get3A_6] : memref<1x1x4096xi32, #tpu.memory_space<vmem>>, vector<1x1x4096xi32>
    %get3A_8 = vector.shape_cast %get3A_7 : vector<1x1x4096xi32> to vector<4096xi32>
    %iota3A = tpu.iota {dimensions = array<i32: 1>} : vector<4096x512xi32>
    %reshape3A = vector.shape_cast %get3A_3 : vector<4096xi32> to vector<4096x1xi32>
    %eq3A = vector.broadcast %reshape3A : vector<4096x1xi32> to vector<4096x512xi32>
    %eq3A_9 = arith.cmpi eq, %iota3A, %eq3A : vector<4096x512xi32>
    %convert_element_type3A = arith.extui %eq3A_9 : vector<4096x512xi1> to vector<4096x512xi32>
    %convert_element_type3A_10 = arith.sitofp %convert_element_type3A : vector<4096x512xi32> to vector<4096x512xf32>
    %convert_element_type3A_11 = arith.truncf %convert_element_type3A_10 : vector<4096x512xf32> to vector<4096x512xbf16>
    %reshape3A_12 = vector.shape_cast %get3A_8 : vector<4096xi32> to vector<4096x1xi32>
    %eq3A_13 = vector.broadcast %reshape3A_12 : vector<4096x1xi32> to vector<4096x512xi32>
    %eq3A_14 = arith.cmpi eq, %iota3A, %eq3A_13 : vector<4096x512xi32>
    %convert_element_type3A_15 = arith.extui %eq3A_14 : vector<4096x512xi1> to vector<4096x512xi32>
    %convert_element_type3A_16 = arith.sitofp %convert_element_type3A_15 : vector<4096x512xi32> to vector<4096x512xf32>
    %convert_element_type3A_17 = arith.truncf %convert_element_type3A_16 : vector<4096x512xf32> to vector<4096x512xbf16>
    %concatenate3A = tpu.concatenate %convert_element_type3A_11, %convert_element_type3A_17 in 1 : vector<4096x512xbf16>, vector<4096x512xbf16> -> vector<4096x1024xbf16>
    %get3A_18 = arith.constant 0 : index
    %get3A_19 = arith.constant 0 : index
    %get3A_20 = vector.load %arg5[%get3A_18, %get3A_19] : memref<1024x128xbf16, #tpu.memory_space<vmem>>, vector<1024x128xbf16>
    %dot_general3A = arith.constant dense<0.000000e+00> : vector<4096x128xf32>
    %dot_general3A_21 = tpu.matmul %concatenate3A, %get3A_20, %dot_general3A {dimension_numbers = #tpu.dot_dimension_numbers<[1], [0], [0], [1], [0, 0, 1, 1], [], []>, transpose_lhs_hint = false} : vector<4096x1024xbf16>, vector<1024x128xbf16>, vector<4096x128xf32> -> vector<4096x128xf32>
    %get3A_22 = arith.constant 0 : index
    %get3A_23 = arith.constant 0 : index
    %get3A_24 = vector.load %arg6[%get3A_22, %get3A_23] : memref<1024x128xbf16, #tpu.memory_space<vmem>>, vector<1024x128xbf16>
    %dot_general3A_25 = arith.constant dense<0.000000e+00> : vector<4096x128xf32>
    %dot_general3A_26 = tpu.matmul %concatenate3A, %get3A_24, %dot_general3A_25 {dimension_numbers = #tpu.dot_dimension_numbers<[1], [0], [0], [1], [0, 0, 1, 1], [], []>, transpose_lhs_hint = false} : vector<4096x1024xbf16>, vector<1024x128xbf16>, vector<4096x128xf32> -> vector<4096x128xf32>
    %add3A = arith.addf %dot_general3A_21, %dot_general3A_26 : vector<4096x128xf32>
    %get3A_27 = arith.constant 0 : index
    %get3A_28 = vector.load %arg2[%get3A_27] : memref<32768xf32, #tpu.memory_space<vmem>>, vector<32768xf32>
    %reshape3A_29 = vector.shape_cast %get3A_28 : vector<32768xf32> to vector<256x128xf32>
    %slice3A = vector.extract_strided_slice %reshape3A_29 {offsets = [0, 0], sizes = [256, 64], strides = [1, 1]} : vector<256x128xf32> to vector<256x64xf32>
    %slice3A_30 = vector.extract_strided_slice %reshape3A_29 {offsets = [0, 64], sizes = [256, 64], strides = [1, 1]} : vector<256x128xf32> to vector<256x64xf32>
    %get3A_31 = arith.constant 0 : index
    %get3A_32 = arith.constant 0 : index
    %get3A_33 = vector.load %arg7[%get3A_31, %get3A_32] : memref<64x64xf32, #tpu.memory_space<vmem>>, vector<64x64xf32>
    %dot_general3A_34 = arith.constant dense<0.000000e+00> : vector<256x64xf32>
    %dot_general3A_35 = tpu.matmul %slice3A_30, %get3A_33, %dot_general3A_34 {dimension_numbers = #tpu.dot_dimension_numbers<[1], [1], [0], [0], [0, 0, 1, 0], [], []>, precision = #tpu.contract_precision<fp32>, transpose_lhs_hint = false} : vector<256x64xf32>, vector<64x64xf32>, vector<256x64xf32> -> vector<256x64xf32>
    %concatenate3A_36 = tpu.concatenate %dot_general3A_35, %dot_general3A_35 in 1 : vector<256x64xf32>, vector<256x64xf32> -> vector<256x128xf32>
    %reshape3A_37 = vector.shape_cast %concatenate3A_36 : vector<256x128xf32> to vector<256x1x128xf32>
    %broadcast_in_dim3A = vector.shape_cast %reshape3A_37 : vector<256x1x128xf32> to vector<256x1x128xf32>
    %broadcast_in_dim3A_38 = vector.broadcast %broadcast_in_dim3A : vector<256x1x128xf32> to vector<256x16x128xf32>
    %reshape3A_39 = vector.shape_cast %broadcast_in_dim3A_38 : vector<256x16x128xf32> to vector<4096x128xf32>
    %get3A_40 = arith.constant 0 : index
    %get3A_41 = arith.constant 0 : index
    %get3A_42 = vector.load %arg8[%get3A_40, %get3A_41] : memref<128x128xf32, #tpu.memory_space<vmem>>, vector<128x128xf32>
    %dot_general3A_43 = arith.constant dense<0.000000e+00> : vector<4096x128xf32>
    %dot_general3A_44 = tpu.matmul %add3A, %get3A_42, %dot_general3A_43 {dimension_numbers = #tpu.dot_dimension_numbers<[1], [0], [0], [1], [0, 0, 1, 1], [], []>, precision = #tpu.contract_precision<fp32>, transpose_lhs_hint = false} : vector<4096x128xf32>, vector<128x128xf32>, vector<4096x128xf32> -> vector<4096x128xf32>
    %add3A_45 = arith.addf %reshape3A_39, %dot_general3A_44 : vector<4096x128xf32>
    %get3A_46 = arith.constant 0 : index
    %get3A_47 = arith.constant 0 : index
    %get3A_48 = vector.load %arg10[%get3A_46, %get3A_47] : memref<1x128xf32, #tpu.memory_space<vmem>>, vector<1x128xf32>
    %add3A_49 = vector.broadcast %get3A_48 : vector<1x128xf32> to vector<4096x128xf32>
    %add3A_50 = arith.addf %add3A_45, %add3A_49 : vector<4096x128xf32>
    %max3A = arith.constant 0.000000e+00 : f32
    %max3A_51 = vector.broadcast %max3A : f32 to vector<4096x128xf32>
    %max3A_52 = arith.maximumf %add3A_50, %max3A_51 : vector<4096x128xf32>
    %get3A_53 = arith.constant 0 : index
    %get3A_54 = arith.constant 0 : index
    %get3A_55 = vector.load %arg9[%get3A_53, %get3A_54] : memref<128x128xf32, #tpu.memory_space<vmem>>, vector<128x128xf32>
    %dot_general3A_56 = arith.constant dense<0.000000e+00> : vector<4096x128xf32>
    %dot_general3A_57 = tpu.matmul %max3A_52, %get3A_55, %dot_general3A_56 {dimension_numbers = #tpu.dot_dimension_numbers<[1], [0], [0], [1], [0, 0, 1, 1], [], []>, precision = #tpu.contract_precision<fp32>, transpose_lhs_hint = false} : vector<4096x128xf32>, vector<128x128xf32>, vector<4096x128xf32> -> vector<4096x128xf32>
    %get3A_58 = arith.constant 0 : index
    %get3A_59 = arith.constant 0 : index
    %get3A_60 = vector.load %arg11[%get3A_58, %get3A_59] : memref<1x128xf32, #tpu.memory_space<vmem>>, vector<1x128xf32>
    %add3A_61 = vector.broadcast %get3A_60 : vector<1x128xf32> to vector<4096x128xf32>
    %add3A_62 = arith.addf %dot_general3A_57, %add3A_61 : vector<4096x128xf32>
    %get3A_63 = arith.constant 0 : index
    %get3A_64 = vector.load %arg1[%get3A_63] : memref<524288xf32, #tpu.memory_space<vmem>>, vector<524288xf32>
    %reshape3A_65 = vector.shape_cast %get3A_64 : vector<524288xf32> to vector<4096x128xf32>
    %mul3A = arith.mulf %add3A_62, %reshape3A_65 : vector<4096x128xf32>
    %reshape3A_66 = vector.shape_cast %mul3A : vector<4096x128xf32> to vector<256x16x128xf32>
    %reduce_sum3A = arith.constant dense<0.000000e+00> : vector<256x128xf32>
    %reduce_sum3A_67 = vector.multi_reduction <add>, %reshape3A_66, %reduce_sum3A [1] : vector<256x16x128xf32> to vector<256x128xf32>
    %mul3A_68 = arith.mulf %add3A_62, %add3A : vector<4096x128xf32>
    %reshape3A_69 = vector.shape_cast %mul3A_68 : vector<4096x128xf32> to vector<256x16x128xf32>
    %reduce_sum3A_70 = arith.constant dense<0.000000e+00> : vector<256x128xf32>
    %reduce_sum3A_71 = vector.multi_reduction <add>, %reshape3A_69, %reduce_sum3A_70 [1] : vector<256x16x128xf32> to vector<256x128xf32>
    %slice3A_72 = vector.extract_strided_slice %reduce_sum3A_67 {offsets = [0, 0], sizes = [256, 64], strides = [1, 1]} : vector<256x128xf32> to vector<256x64xf32>
    %slice3A_73 = vector.extract_strided_slice %reduce_sum3A_67 {offsets = [0, 64], sizes = [256, 64], strides = [1, 1]} : vector<256x128xf32> to vector<256x64xf32>
    %add3A_74 = arith.addf %slice3A_72, %slice3A_73 : vector<256x64xf32>
    %slice3A_75 = vector.extract_strided_slice %reduce_sum3A_71 {offsets = [0, 0], sizes = [256, 64], strides = [1, 1]} : vector<256x128xf32> to vector<256x64xf32>
    %slice3A_76 = vector.extract_strided_slice %reduce_sum3A_71 {offsets = [0, 64], sizes = [256, 64], strides = [1, 1]} : vector<256x128xf32> to vector<256x64xf32>
    %add3A_77 = arith.addf %slice3A_75, %slice3A_76 : vector<256x64xf32>
    %mul3A_78 = arith.mulf %slice3A, %add3A_77 : vector<256x64xf32>
    %sub3A = arith.subf %add3A_74, %mul3A_78 : vector<256x64xf32>
    %mul3A_79 = arith.mulf %slice3A, %slice3A_30 : vector<256x64xf32>
    %abs3A = math.absf %sub3A : vector<256x64xf32>
    %reduce_sum3A_80 = arith.constant dense<0.000000e+00> : vector<256xf32>
    %reduce_sum3A_81 = vector.multi_reduction <add>, %abs3A, %reduce_sum3A_80 [1] : vector<256x64xf32> to vector<256xf32>
    %broadcast_in_dim3A_82 = vector.shape_cast %reduce_sum3A_81 : vector<256xf32> to vector<256x1xf32>
    %abs3A_83 = math.absf %mul3A_79 : vector<256x64xf32>
    %reduce_sum3A_84 = arith.constant dense<0.000000e+00> : vector<256xf32>
    %reduce_sum3A_85 = vector.multi_reduction <add>, %abs3A_83, %reduce_sum3A_84 [1] : vector<256x64xf32> to vector<256xf32>
    %broadcast_in_dim3A_86 = vector.shape_cast %reduce_sum3A_85 : vector<256xf32> to vector<256x1xf32>
    %div3A = arith.divf %broadcast_in_dim3A_82, %broadcast_in_dim3A_86 : vector<256x1xf32>
    %mul3A_87 = arith.constant 2.500000e+00 : f32
    %mul3A_88 = vector.broadcast %mul3A_87 : f32 to vector<256x1xf32>
    %mul3A_89 = arith.mulf %div3A, %mul3A_88 : vector<256x1xf32>
    %add3A_90 = arith.constant 9.99999971E-10 : f32
    %add3A_91 = vector.broadcast %add3A_90 : f32 to vector<256x1xf32>
    %add3A_92 = arith.addf %add3A_91, %mul3A_89 : vector<256x1xf32>
    %div3A_93 = vector.broadcast %add3A_92 : vector<256x1xf32> to vector<256x64xf32>
    %div3A_94 = arith.divf %sub3A, %div3A_93 : vector<256x64xf32>
    %add3A_95 = arith.addf %mul3A_79, %div3A_94 : vector<256x64xf32>
    %swap3A = arith.constant 0 : index
    %swap3A_96 = arith.constant 0 : index
    %swap3A_97 = arith.constant 0 : index
    %swap3A_98 = vector.load %arg12[%swap3A, %swap3A_96, %swap3A_97] : memref<1x256x64xf32, #tpu.memory_space<vmem>>, vector<1x256x64xf32>
    %swap3A_99 = vector.shape_cast %swap3A_98 : vector<1x256x64xf32> to vector<256x64xf32>
    %swap3A_100 = vector.shape_cast %add3A_95 : vector<256x64xf32> to vector<1x256x64xf32>
    tpu.vector_store %arg12[%swap3A, %swap3A_96, %swap3A_97], %swap3A_100 {strides = array<i32>} : memref<1x256x64xf32, #tpu.memory_space<vmem>>, vector<1x256x64xf32>,
    return
  }
  func.func @transform_0(%arg0: i32) -> i32 {
    %c0_i32 = arith.constant 0 : i32
    return %arg0 : i32
  }
  func.func @transform_1(%arg0: i32) -> i32 {
    %c0_i32 = arith.constant 0 : i32
    return %arg0 : i32
  }
  func.func @transform_2(%arg0: i32) -> (i32, i32, i32) {
    %c0_i32 = arith.constant 0 : i32
    %c0_i32_0 = arith.constant 0 : i32
    %c0_i32_1 = arith.constant 0 : i32
    return %arg0, %c0_i32, %c0_i32_0 : i32, i32, i32
  }
  func.func @transform_3(%arg0: i32) -> (i32, i32, i32) {
    %c0_i32 = arith.constant 0 : i32
    %c0_i32_0 = arith.constant 0 : i32
    %c0_i32_1 = arith.constant 0 : i32
    return %arg0, %c0_i32, %c0_i32_0 : i32, i32, i32
  }
  func.func @transform_4(%arg0: i32) -> (i32, i32) {
    %c0_i32 = arith.constant 0 : i32
    %c0_i32_0 = arith.constant 0 : i32
    %c0_i32_1 = arith.constant 0 : i32
    return %c0_i32, %c0_i32_0 : i32, i32
  }
  func.func @transform_5(%arg0: i32) -> (i32, i32) {
    %c0_i32 = arith.constant 0 : i32
    %c0_i32_0 = arith.constant 0 : i32
    %c0_i32_1 = arith.constant 0 : i32
    return %c0_i32, %c0_i32_0 : i32, i32
  }
  func.func @transform_6(%arg0: i32) -> (i32, i32) {
    %c0_i32 = arith.constant 0 : i32
    %c0_i32_0 = arith.constant 0 : i32
    %c0_i32_1 = arith.constant 0 : i32
    return %c0_i32, %c0_i32_0 : i32, i32
  }
  func.func @transform_7(%arg0: i32) -> (i32, i32) {
    %c0_i32 = arith.constant 0 : i32
    %c0_i32_0 = arith.constant 0 : i32
    %c0_i32_1 = arith.constant 0 : i32
    return %c0_i32, %c0_i32_0 : i32, i32
  }
  func.func @transform_8(%arg0: i32) -> (i32, i32) {
    %c0_i32 = arith.constant 0 : i32
    %c0_i32_0 = arith.constant 0 : i32
    %c0_i32_1 = arith.constant 0 : i32
    return %c0_i32, %c0_i32_0 : i32, i32
  }
  func.func @transform_9(%arg0: i32) -> (i32, i32) {
    %c0_i32 = arith.constant 0 : i32
    %c0_i32_0 = arith.constant 0 : i32
    %c0_i32_1 = arith.constant 0 : i32
    return %c0_i32, %c0_i32_0 : i32, i32
  }
  func.func @transform_10(%arg0: i32) -> (i32, i32) {
    %c0_i32 = arith.constant 0 : i32
    %c0_i32_0 = arith.constant 0 : i32
    %c0_i32_1 = arith.constant 0 : i32
    return %c0_i32, %c0_i32_0 : i32, i32
  }
  func.func @transform_11(%arg0: i32) -> (i32, i32, i32) {
    %c0_i32 = arith.constant 0 : i32
    %c0_i32_0 = arith.constant 0 : i32
    %c0_i32_1 = arith.constant 0 : i32
    return %arg0, %c0_i32, %c0_i32_0 : i32, i32, i32
  }
}

</mosaic_0001>

<sc_bundles>
// kernel: kernel.4.cloned.1.call-start
scs
__scs_entry_jumppad:
0x0: {  	(pc) =	sbr.rel $0x88, $3  }
0x1: {  	(tag) =	ssettag $0x0;
	lr =	simm.s32 $0x1  }
0x2: {  	[smem:$0x3F97] =	sst lr;
	_ =	strace $0xD0000000  }
0x3: {  	_ = 	snop  }
0x4: {  	_ = 	snop  }
0x5: {  	_ = 	snop  }
0x6: {  	_ = 	snop  }
0x7: {  	_ = 	snop  }
__scs_overlays_trampoline_lowered:
0x8: {  	[smem:$0x3FA6] =	sst s0  }
0x9: {  	[smem:$0x3FA7] =	sst s1  }
0xa: {  	[smem:$0x3FA8] =	sst s2  }
0xb: {  	[smem:$0x3FA9] =	sst s3  }
0xc: {  	[smem:$0x3FAA] =	sst s4  }
0xd: {  	[smem:$0x3FAB] =	sst s5  }
0xe: {  	[smem:$0x3FAC] =	sst s6  }
0xf: {  	[smem:$0x3FAD] =	sst s7  }
0x10: {  	[smem:$0x3FAE] =	sst s8  }
0x11: {  	[smem:$0x3FAF] =	sst s9;
	s0 =	simm.s32 @!p0 $0x0  }
0x12: {  	s1 =	sld [smem:$0x3F95];
	s0 =	simm.s32 @p0 $0x1  }
0x13: {  	[smem:$0x3FB0] =	sst s0;
	s0 =	simm.s32 @!p1 $0x0  }
0x14: {  	s2 =	sld [smem:$0x3F94];
	s0 =	simm.s32 @p1 $0x1  }
0x15: {  	[smem:$0x3FB1] =	sst s0;
	s0 =	simm.s32 @!p2 $0x0  }
0x16: {  	s3 =	sld [smem:$0x3FDB];
	s0 =	simm.s32 @p2 $0x1  }
0x17: {  	s4 =	simm.s32 $0x1BF5;
	[smem:$0x3FB3] =	sst s0  }
0x18: {  	s0 =	sld [smem:$0x3F96];
	_ =	swait.ge [sflag:s4], $0x0  }
0x19: {  	s7 =	sld [smem:$0x3F97]  }
0x1a: {  	s8 =	sadd.s32 $0xFFFFE003, lr  }
0x1b: {  	s9 =	sadd.s32 $0xFFFFFEF7, lr;
	s5 =	simm.s32 $0xFFFFFFFF;
	p2 =	slt.u32 s8, $0xFFFFF086  }
0x1c: {  	p1 =	slt.u32 s9, $0xF7A;
	s5 =	simm.s32 @!p2 $0x0  }
0x1d: {  	s5 =	simm.s32 @p1 $0x1;
	p0 =	seq.s32 s7, s2  }
0x1e: {  	s7 =	smul.u32 @!p0 $0xF7A, s2;
	p2 =	seq.s32 @!p0 s5, $0x0  }
0x1f: {  	s9 =	smul.u32 $0xF7A, s1;
	s8 =	simm.s32 @!p0 $0x1BF5;
	p2 =	por !p2, p0  }
0x20: {  	[sflag:s8] =	ssyncset.s32 @!p0 $0xFFFFF086;
	s6 =	sadd.s32 @!p0 s3, s7;
	s7 =	simm.s32 @!p0 $0x108  }
0x21: {  	s3 =	sadd.s32 s3, s9;
	s6 =	sadd.s32 @!p0 $0x88, s6;
	s7 =	simm.s32 @p2 $0x1082  }
0x22: {  	[simem:s7], [sflag:s8] =	dma.local @!p0 [hbm:s6], $0xF7A  }
0x23: {  	s9 =	sor.u32 $0xD0000000, s2;
	s6 =	simm.s32 $0x108;
	_ =	swait.ge @!p0 [sflag:s8], $0x0  }
0x24: {  	s3 =	sadd.s32 $0x88, s3;
	s6 =	simm.s32 @!p1 $0x1082;
	[sflag:s4] =	ssyncset.s32 $0xFFFFF086  }
0x25: {  	[simem:s6], [sflag:s4] =	dma.local [hbm:s3], $0xF7A  }
0x26: {  	[smem:$0x3F97] =	sst s1;
	(tag) =	ssettag s2;
	_ =	strace s9  }
0x27: {  	s1 =	sld [smem:$0x3FA7]  }
0x28: {  	s2 =	sld [smem:$0x3FA8]  }
0x29: {  	s4 =	sld [smem:$0x3FAA]  }
0x2a: {  	p0 =	seq.s32 s5, $0x0;
	s5 =	sld [smem:$0x3FAB]  }
0x2b: {  	s6 =	sld [smem:$0x3FAC]  }
0x2c: {  	s7 =	sld [smem:$0x3FAD]  }
0x2d: {  	s3 =	simm.s32 $0x108;
	s8 =	sld [smem:$0x3FAE]  }
0x2e: {  	s3 =	simm.s32 @!p0 $0x1082;
	s9 =	sld [smem:$0x3FAF]  }
0x2f: {  	lr =	sadd.s32 s0, s3;
	s0 =	sld [smem:$0x3FA6]  }
0x30: {  	s3 =	sld [smem:$0x3FA9]  }
0x31: {  	[smem:$0x3FB2] =	sst s10  }
0x32: {  	s10 =	sld [smem:$0x3FB0];
	_ =	sdelay $0x3  }
0x33: {  	p0 =	seq.s32 s10, $0x1;
	s10 =	sld [smem:$0x3FB2];
	_ =	sdelay $0x3  }
0x34: {  	[smem:$0x3FB2] =	sst s10  }
0x35: {  	s10 =	sld [smem:$0x3FB1];
	_ =	sdelay $0x3  }
0x36: {  	p1 =	seq.s32 s10, $0x1;
	s10 =	sld [smem:$0x3FB2];
	_ =	sdelay $0x3  }
0x37: {  	[smem:$0x3FB2] =	sst s10  }
0x38: {  	s10 =	sld [smem:$0x3FB3]  }
0x39: {  	_ = 	snop;
	(pc) =	sbr.ind lr, $3  }
0x3a: {  	_ = 	snop  }
0x3b: {  	_ = 	snop  }
0x3c: {  	p2 =	seq.s32 s10, $0x1;
	s10 =	sld [smem:$0x3FB2]  }
0x3d: {  	_ =	shalt  }
0x3e: {  	_ =	shalt  }
0x3f: {  	_ =	shalt  }
0x40: {  	_ =	shalt  }
0x41: {  	_ =	shalt  }
0x42: {  	_ =	shalt  }
0x43: {  	_ =	shalt  }
0x44: {  	_ =	shalt  }
0x45: {  	_ =	shalt  }
0x46: {  	_ =	shalt  }
0x47: {  	_ =	shalt  }
0x48: {  	_ =	shalt  }
0x49: {  	_ =	shalt  }
0x4a: {  	_ =	shalt  }
0x4b: {  	_ =	shalt  }
0x4c: {  	_ =	shalt  }
0x4d: {  	_ =	shalt  }
0x4e: {  	_ =	shalt  }
0x4f: {  	_ =	shalt  }
0x50: {  	_ =	shalt  }
0x51: {  	_ =	shalt  }
0x52: {  	_ =	shalt  }
0x53: {  	_ =	shalt  }
0x54: {  	_ =	shalt  }
0x55: {  	_ =	shalt  }
0x56: {  	_ =	shalt  }
0x57: {  	_ =	shalt  }
0x58: {  	_ =	shalt  }
0x59: {  	_ =	shalt  }
0x5a: {  	_ =	shalt  }
0x5b: {  	_ =	shalt  }
0x5c: {  	_ =	shalt  }
0x5d: {  	_ =	shalt  }
0x5e: {  	_ =	shalt  }
0x5f: {  	_ =	shalt  }
0x60: {  	_ =	shalt  }
0x61: {  	_ =	shalt  }
0x62: {  	_ =	shalt  }
0x63: {  	_ =	shalt  }
0x64: {  	_ =	shalt  }
0x65: {  	_ =	shalt  }
0x66: {  	_ =	shalt  }
0x67: {  	_ =	shalt  }
0x68: {  	_ =	shalt  }
0x69: {  	_ =	shalt  }
0x6a: {  	_ =	shalt  }
0x6b: {  	_ =	shalt  }
0x6c: {  	_ =	shalt  }
0x6d: {  	_ =	shalt  }
0x6e: {  	_ =	shalt  }
0x6f: {  	_ =	shalt  }
0x70: {  	_ =	shalt  }
0x71: {  	_ =	shalt  }
0x72: {  	_ =	shalt  }
0x73: {  	_ =	shalt  }
0x74: {  	_ =	shalt  }
0x75: {  	_ =	shalt  }
0x76: {  	_ =	shalt  }
0x77: {  	_ =	shalt  }
0x78: {  	_ =	shalt  }
0x79: {  	_ =	shalt  }
0x7a: {  	_ =	shalt  }
0x7b: {  	_ =	shalt  }
0x7c: {  	_ =	shalt  }
0x7d: {  	_ =	shalt  }
0x7e: {  	_ =	shalt  }
0x7f: {  	_ =	shalt  }
0x80: {  	_ =	shalt  }
0x81: {  	_ =	shalt  }
0x82: {  	_ =	shalt  }
0x83: {  	_ =	shalt  }
0x84: {  	_ =	shalt  }
0x85: {  	_ =	shalt  }
0x86: {  	_ =	shalt  }
0x87: {  	_ =	shalt  }
.Lfunc_end0:
.L_simem_size_0:
called_computation_lowered:
.L_overlay_start_0:
0x88: {  	s2 =	sld [smem:$0x3FD9]  }
0x89: {  	s3 =	sld [smem:$0x3FFE];
	_ =	sdelay $0x1  }
0x8a: {  	s1 =	srdreg.scid  }
0x8b: {  	s0 =	sand.u32 $0x1, s1  }
0x8c: {  	s17 =	sshll.u32 s0, $0xA;
	s2 =	sadd.s32 s3, s2  }
0x8d: {  	s2 =	sadd.s32 s2, s17  }
0x8e: {  	[smem:$0x3FBE] =	sst s2  }
0x8f: {  	_ = 	snop  }
0x90: {  	s2 =	sld [smem:$0x3FC3]  }
0x91: {  	s18 =	sld [smem:$0x3FC2]  }
0x92: {  	s4 =	sld [smem:$0x3FD0];
	(tm) =	ssettm $0x1  }
0x93: {  	s5 =	sld [smem:$0x3FFB];
	_ =	sdelay $0x3  }
0x94: {  	_ =	strace s5  }
0x95: {  	s5 =	sld [smem:$0x3FFC];
	_ =	sdelay $0x3  }
0x96: {  	_ =	strace s5  }
0x97: {  	s5 =	sld [smem:$0x3FFD];
	_ =	sdelay $0x3  }
0x98: {  	_ =	strace s5  }
0x99: {  	_ =	strace $0x8FFFFFFF  }
0x9a: {  	s19 =	sld [smem:$0x3FDB];
	_ =	sdelay $0x1  }
0x9b: {  	s6 =	simm.s32 $_scs_section_size  }
0x9c: {  	s7 =	simm.s32 $_size__tile_overlayer_lowered;
	s8 =	simm.s32 $_tile_overlayer_lowered  }
0x9d: {  	s22 =	simm.s32 $0x1BFF;
	s21 =	sshll.u32 s8, $0x1;
	s5 =	sadd.s32 s6, s19  }
0x9e: {  	s9 =	simm.s32 $0x0;
	s20 =	sshll.u32 s7, $0x1;
	s7 =	sadd.s32 s21, s5  }
0x9f: {  	[timem:s9], [sflag:s22] =	dma.local [hbm:s7], s20  }
0xa0: {  	_ =	swait.ge [sflag:s22], s20  }
0xa1: {  	s6 =	ssub.s32 $0x0, s20;
	[sflag:s22] =	ssyncset.done $0x0  }
0xa2: {  	[sflag:s22] =	ssyncadd.s32 s6;
	_ =	sdelay $0x1  }
0xa3: {  	s23 =	simm.s32 $0x1B8B  }
0xa4: {  	_ =	swait.ge [sflag:s23], $0x1  }
0xa5: {  	[sflag:s23] =	ssyncset.done $0x0  }
0xa6: {  	s25 =	simm.s32 $0x1B8E;
	s24 =	sld [smem:$0x3FFE];
	[sflag:s23] =	ssyncadd.s32 $0xFFFFFFFF  }
0xa7: {  	s26 =	simm.s32 $execute0_lowered;
	[smem:$0x3FD2] =	sst s25  }
0xa8: {  	s7 =	sshll.u32 s26, $0x1;
	_ =	strace $0x80000046;
	[dreg:$0x1] =	wrdreg $0xFFFFFFFF  }
0xa9: {  	s28 =	simm.s32 $_size_execute0_lowered;
	s5 =	sadd.s32 s5, s7;
	[dreg:$0x0] =	wrdreg $0x0  }
0xaa: {  	s7 =	sshll.u32 s28, $0x1;
	[dreg:$0x2] =	wrdreg s5  }
0xab: {  	[dreg:$0x3] =	wrdreg s7  }
0xac: {  	[dreg:$0x4] =	wrdreg $0xC0  }
0xad: {  	_ =	task [dreg:s9], $0x5FFFF  }
0xae: {  	[dreg:$0x1] =	wrdreg $0xFFFFFFFF  }
0xaf: {  	[dreg:$0x0] =	wrdreg $0x60  }
0xb0: {  	[dreg:$0x2] =	wrdreg s24  }
0xb1: {  	[dreg:$0x3] =	wrdreg s4  }
0xb2: {  	[dreg:$0x4] =	wrdreg s2  }
0xb3: {  	[dreg:$0x5] =	wrdreg s18  }
0xb4: {  	[dreg:$0x6] =	wrdreg $0x9  }
0xb5: {  	_ =	task.clear_ibuf [dreg:s9], $0x7FFFF;
	_ =	strace $0x90000046  }
0xb6: {  	s29 =	simm.s32 $0x9;
	_ =	strace $0x80000048  }
0xb7: {  	_ =	swait.ge [sflag:s29], $0x1  }
0xb8: {  	[sflag:s29] =	ssyncadd.s32 $0xFFFFFFFF  }
0xb9: {  	_ =	strace $0x90000048  }
0xba: {  	_ =	sfence  }
0xbb: {  	s30 =	sld [smem:$0x0];
	_ =	sdelay $0x2  }
0xbc: {  	s31 =	sshll.u32 s1, $0xD;
	s1 =	sshrl.u32 s1, $0x2  }
0xbd: {  	s3 =	sand.u32 $0x4000, s31;
	s1 =	sadd.s32 s1, s30  }
0xbe: {  	s0 =	sor.u32 s3, s0;
	s1 =	sshll.u32 s1, $0x11  }
0xbf: {  	s0 =	sor.u32 s1, s0  }
0xc0: {  	s0 =	sadd.s32 $0x8F2B, s0  }
0xc1: {  	[sflag:s0] =	ssyncadd.remote.s32 $0x1  }
0xc2: {  	_ =	sfence.sel $0xFFFF  }
0xc3: {  	[dreg:$0x0] =	wrdreg $0xFFFFFFFF;
	(pc) =	sbr.abs _section_cstart, $3  }
0xc4: {  	[dreg:$0x1] =	wrdreg $0xFFFFFFFF  }
0xc5: {  	_ =	task.clear_ibuf [dreg:s9], $0x2FFFF;
	_ =	strace $0x9FFFFFFF  }
0xc6: {  	(tm) =	ssettm $0x7FFFFFFF  }
0xc7: {  	_ =	shalt  }
tec
execute0_lowered:
.L_overlay_start_1:
0x0: {  	(tag) =	ssettag $0x1  }
0x1: {  	s0 =	rddreg [dreg:$0x0]  }
0x2: {  	s1 =	rddreg [dreg:$0x1]  }
0x3: {  	s2 =	rddreg [dreg:$0x2]  }
0x4: {  	s5 =	rddreg [dreg:$0x3]  }
0x5: {  	s3 =	simm.s32 $0x0;
	s6 =	srdreg.scid;
	s7 =	stileid.u32  }
0x6: {  	s16 =	simm.s32 $0x3;
	s17 =	simm.s32 $0x80;
	s18 =	simm.s32 $0x200  }
0x7: {  	s19 =	simm.s32 $0x2200;
	s20 =	simm.s32 $0x100;
	s21 =	simm.s32 $0x4200  }
0x8: {  	s28 =	simm.s32 $0xC200;
	s29 =	simm.s32 $0xE200;
	s30 =	simm.s32 $0x2  }
0x9: {  	s31 =	simm.s32 $0x0;
	[smem:$0x7FF] =	sst s3;
	s4 =	sadd.s32 $0xF46A00, s0  }
0xa: {  	s6 =	sand.u32 $0x1, s6;
	s7 =	sshll.u32 s7, $0x1;
	s8 =	sadd.s32 $0x4600, s0  }
0xb: {  	_ =	strace $0x80000047;
	[dreg:$0x5] =	wrdreg s8;
	s10 =	sor.u32 s6, s7  }
0xc: {  	s22 =	ssub.s32 $0x2, s6;
	s6 =	sadd.s32 $0x15600, s0;
	s8 =	sadd.s32 $0x15A00, s0  }
0xd: {  	s23 =	sshll.u32 s10, $0xB;
	s9 =	sshrl.u32 s22, $0x1;
	s7 =	sshll.u32 s10, $0xC  }
0xe: {  	s13 =	sshll.u32 s10, $0x4;
	s10 =	sadd.s32 $0x16200, s0;
	s11 =	sadd.s32 s23, s0  }
0xf: {  	s12 =	ssub.s32 s22, s9;
	s9 =	sadd.s32 $0x15E00, s0;
	s24 =	sadd.s32 s2, s13  }
0x10: {  	s25 =	sadd.s32 s5, s13;
	s22 =	simm.s32 $0x180;
	[dreg:$0x6] =	wrdreg s24  }
0x11: {  	s23 =	simm.s32 $0x6200;
	[dreg:$0x7] =	wrdreg s25;
	s26 =	sadd.s32 $0x5600, s11  }
0x12: {  	s14 =	sadd.s32 $0x5A00, s11;
	s15 =	smax.u32 s12, $0x1;
	s24 =	simm.s32 $0x1  }
0x13: {  	s25 =	simm.s32 $0x8200;
	[dreg:$0x8] =	wrdreg s26;
	s26 =	simm.s32 $0xA200  }
.LBB2_1:
0x14: {  	s0 =	simm.s32 $0x0  }
.LBB2_2:
0x15: {  	s2 =	sshll.u32 s0, $0x9  }
0x16: {  	s2 =	sadd.s32 s7, s2  }
0x17: {  	s5 =	sshrl.u32 s2, $0x3  }
0x18: {  	s11 =	simm.s32 $0x0;
	s5 =	sadd.s32 s1, s5  }
0x19: {  	[tilespmem:s11], [sflag:$0x3] =	stream.linear.gather [hbm4b:s5+s11], $0x200, $0x38;
	[tilespmem:$0x10200] =	vst v63  }
0x1a: {  	_ =	swait.ge [sflag:s16], $0x200  }
0x1b: {  	[sflag:s16] =	ssyncset.done $0x0  }
0x1c: {  	[sflag:s16] =	ssyncadd.s32 $0xFFFFFE00  }
0x1d: {  	[tilespmem:s18], [sflag:$0x1] =	stream.indirect.gather [hbm4b:s4+s17], $0x40, s11, s17, $0xb8;
	[tilespmem:$0x10200] =	vst v63  }
0x1e: {  	_ = 	snop  }
0x1f: {  	[tilespmem:s19], [sflag:$0x1] =	stream.indirect.gather [hbm4b:s4+s17], $0x40, s17, s17, $0xb8;
	[tilespmem:$0x10200] =	vst v63  }
0x20: {  	_ = 	snop  }
0x21: {  	[tilespmem:s21], [sflag:$0x1] =	stream.indirect.gather [hbm4b:s4+s17], $0x40, s20, s17, $0xb8;
	[tilespmem:$0x10200] =	vst v63  }
0x22: {  	_ = 	snop  }
0x23: {  	[tilespmem:s23], [sflag:$0x1] =	stream.indirect.gather [hbm4b:s4+s17], $0x40, s22, s17, $0xb8;
	[tilespmem:$0x10200] =	vst v63  }
0x24: {  	_ =	swait.ge [sflag:s24], $0x2000  }
0x25: {  	[sflag:s24] =	ssyncset.done $0x0  }
0x26: {  	[sflag:s24] =	ssyncadd.s32 $0xFFFFE000  }
0x27: {  	_ =	swait.ge [sflag:s24], $0x2000  }
0x28: {  	[sflag:s24] =	ssyncset.done $0x0  }
0x29: {  	[sflag:s24] =	ssyncadd.s32 $0xFFFFE000  }
0x2a: {  	_ =	swait.ge [sflag:s24], $0x2000  }
0x2b: {  	[sflag:s24] =	ssyncset.done $0x0  }
0x2c: {  	[sflag:s24] =	ssyncadd.s32 $0xFFFFE000  }
0x2d: {  	_ =	swait.ge [sflag:s24], $0x2000  }
0x2e: {  	[sflag:s24] =	ssyncset.done $0x0  }
0x2f: {  	s5 =	simm.s32 $0x0;
	[sflag:s24] =	ssyncadd.s32 $0xFFFFE000  }
0x30: {  	v3 =	vld [tilespmem:s5+$0x270]  }
0x31: {  	v4 =	vld [tilespmem:s5+$0x200]  }
0x32: {  	v5 =	vld [tilespmem:s5+$0x240]  }
0x33: {  	v2 =	vld [tilespmem:s5+$0x210]  }
0x34: {  	v0 =	vld [tilespmem:s5+$0x250]  }
0x35: {  	v1 =	vld [tilespmem:s5+$0x220];
	[tilespmem:s5+$0x8270] =	vst v3  }
0x36: {  	[tilespmem:s5+$0x8200] =	vst v4;
	v3 =	vld [tilespmem:s5+$0x260]  }
0x37: {  	s13 =	simm.s32 $0x400;
	s12 =	simm.s32 $0x0;
	s11 =	simm.s32 $0x80;
	[tilespmem:s5+$0x8240] =	vst v5;
	v4 =	vld [tilespmem:s5+$0x230]  }
.LBB2_3:
0x38: {  	p0 =	sne.s32 s13, $0x7E00;
	v5 =	vld [tilespmem:s11+$0x270];
	[tilespmem:s12+$0x8210] =	vst v2  }
0x39: {  	v6 =	vld [tilespmem:s11+$0x200];
	[tilespmem:s12+$0x8250] =	vst v0  }
0x3a: {  	v7 =	vld [tilespmem:s11+$0x240];
	[tilespmem:s12+$0x8220] =	vst v1  }
.Ltmp0:
0x3b: {  	v2 =	vld [tilespmem:s11+$0x210];
	[tilespmem:s12+$0x8260] =	vst v3;
	(pc) =	sbr.rel @p0 .LBB2_3-.Ltmp0, $4  }
0x3c: {  	v0 =	vld [tilespmem:s11+$0x250];
	[tilespmem:s12+$0x8230] =	vst v4;
	s12 =	smov.u32 s11  }
0x3d: {  	v1 =	vld [tilespmem:s12+$0x220];
	[tilespmem:s12+$0x8270] =	vst v5  }
0x3e: {  	[tilespmem:s12+$0x8200] =	vst v6;
	v3 =	vld [tilespmem:s12+$0x260]  }
0x3f: {  	s11 =	sshra.s32 s13, $0x2;
	s13 =	sadd.s32 $0x200, s13;
	[tilespmem:s12+$0x8240] =	vst v7;
	v4 =	vld [tilespmem:s12+$0x230]  }
0x40: {  	v5 =	vld [tilespmem:s11+$0x270];
	[tilespmem:s12+$0x8210] =	vst v2  }
0x41: {  	v2 =	vld [tilespmem:s11+$0x200];
	[tilespmem:s12+$0x8250] =	vst v0  }
0x42: {  	v0 =	vld [tilespmem:s11+$0x240];
	[tilespmem:s12+$0x8220] =	vst v1  }
0x43: {  	v1 =	vld [tilespmem:s11+$0x210];
	[tilespmem:s12+$0x8260] =	vst v3  }
0x44: {  	v3 =	vld [tilespmem:s11+$0x250];
	[tilespmem:s12+$0x8230] =	vst v4  }
0x45: {  	v4 =	vld [tilespmem:s11+$0x220];
	[tilespmem:s11+$0x8270] =	vst v5  }
0x46: {  	[tilespmem:s11+$0x8200] =	vst v2;
	v2 =	vld [tilespmem:s11+$0x260]  }
0x47: {  	[tilespmem:s11+$0x8240] =	vst v0;
	v0 =	vld [tilespmem:s11+$0x230]  }
0x48: {  	[tilespmem:s11+$0x8210] =	vst v1  }
0x49: {  	[tilespmem:s11+$0x8250] =	vst v3  }
0x4a: {  	[tilespmem:s11+$0x8220] =	vst v4  }
0x4b: {  	[tilespmem:s11+$0x8260] =	vst v2  }
0x4c: {  	[tilespmem:s11+$0x8230] =	vst v0  }
0x4d: {  	v3 =	vld [tilespmem:s5+$0x2270]  }
0x4e: {  	v4 =	vld [tilespmem:s5+$0x2200]  }
0x4f: {  	v5 =	vld [tilespmem:s5+$0x2240]  }
0x50: {  	v2 =	vld [tilespmem:s5+$0x2210]  }
0x51: {  	v0 =	vld [tilespmem:s5+$0x2250]  }
0x52: {  	v1 =	vld [tilespmem:s5+$0x2220];
	[tilespmem:s5+$0xA270] =	vst v3  }
0x53: {  	[tilespmem:s5+$0xA200] =	vst v4;
	v3 =	vld [tilespmem:s5+$0x2260]  }
0x54: {  	s12 =	simm.s32 $0x400;
	s11 =	simm.s32 $0x80;
	[tilespmem:s5+$0xA240] =	vst v5;
	v4 =	vld [tilespmem:s5+$0x2230]  }
.LBB2_5:
0x55: {  	p0 =	sne.s32 s12, $0x7E00;
	v5 =	vld [tilespmem:s11+$0x2270];
	[tilespmem:s5+$0xA210] =	vst v2  }
0x56: {  	v6 =	vld [tilespmem:s11+$0x2200];
	[tilespmem:s5+$0xA250] =	vst v0  }
0x57: {  	v7 =	vld [tilespmem:s11+$0x2240];
	[tilespmem:s5+$0xA220] =	vst v1  }
.Ltmp1:
0x58: {  	v2 =	vld [tilespmem:s11+$0x2210];
	[tilespmem:s5+$0xA260] =	vst v3;
	(pc) =	sbr.rel @p0 .LBB2_5-.Ltmp1, $4  }
0x59: {  	v0 =	vld [tilespmem:s11+$0x2250];
	[tilespmem:s5+$0xA230] =	vst v4;
	s5 =	smov.u32 s11  }
0x5a: {  	v1 =	vld [tilespmem:s5+$0x2220];
	[tilespmem:s5+$0xA270] =	vst v5  }
0x5b: {  	[tilespmem:s5+$0xA200] =	vst v6;
	v3 =	vld [tilespmem:s5+$0x2260]  }
0x5c: {  	s11 =	sshra.s32 s12, $0x2;
	s12 =	sadd.s32 $0x200, s12;
	[tilespmem:s5+$0xA240] =	vst v7;
	v4 =	vld [tilespmem:s5+$0x2230]  }
0x5d: {  	v5 =	vld [tilespmem:s11+$0x2270];
	[tilespmem:s5+$0xA210] =	vst v2  }
0x5e: {  	v2 =	vld [tilespmem:s11+$0x2200];
	[tilespmem:s5+$0xA250] =	vst v0  }
0x5f: {  	v0 =	vld [tilespmem:s11+$0x2240];
	[tilespmem:s5+$0xA220] =	vst v1  }
0x60: {  	v1 =	vld [tilespmem:s11+$0x2210];
	[tilespmem:s5+$0xA260] =	vst v3  }
0x61: {  	v3 =	vld [tilespmem:s11+$0x2250];
	[tilespmem:s5+$0xA230] =	vst v4  }
0x62: {  	v4 =	vld [tilespmem:s11+$0x2220];
	[tilespmem:s11+$0xA270] =	vst v5  }
0x63: {  	[tilespmem:s11+$0xA200] =	vst v2;
	v2 =	vld [tilespmem:s11+$0x2260]  }
0x64: {  	p1 =	por $0x1, $0x1;
	[tilespmem:s11+$0xA240] =	vst v0;
	v0 =	vld [tilespmem:s11+$0x2230]  }
.Ltmp2:
0x65: {  	[tilespmem:s11+$0xA210] =	vst v1;
	(pc) =	sbr.rel @!p1 .LBB2_10-.Ltmp2, $4  }
0x66: {  	[tilespmem:s11+$0xA250] =	vst v3  }
0x67: {  	[tilespmem:s11+$0xA220] =	vst v4  }
0x68: {  	p0 =	por $0x0, $0x0;
	[tilespmem:s11+$0xA260] =	vst v2  }
0x69: {  	p2 =	por $0x0, $0x0;
	s5 =	simm.s32 $0x0;
	[tilespmem:s11+$0xA230] =	vst v0;
	s11 =	simm.s32 $0x0  }
0x6a: {  	v3 =	vld [tilespmem:s5+$0x4270]  }
0x6b: {  	v4 =	vld [tilespmem:s5+$0x4200]  }
0x6c: {  	v5 =	vld [tilespmem:s5+$0x4240];
	p3 =	por $0x1, $0x1  }
.Ltmp3:
0x6d: {  	v0 =	vld [tilespmem:s5+$0x4210];
	(pc) =	sbr.rel @!p3 .LBB2_8-.Ltmp3, $4  }
0x6e: {  	v1 =	vld [tilespmem:s5+$0x4250]  }
0x6f: {  	v2 =	vld [tilespmem:s5+$0x4220];
	[tilespmem:s5+$0xC270] =	vst v3  }
0x70: {  	s11 =	simm.s32 $0x80;
	[tilespmem:s5+$0xC200] =	vst v4;
	v3 =	vld [tilespmem:s5+$0x4260]  }
0x71: {  	s13 =	simm.s32 $0x400;
	p2 =	por $0x1, $0x1;
	s12 =	simm.s32 $0x0;
	[tilespmem:s5+$0xC240] =	vst v5;
	v4 =	vld [tilespmem:s5+$0x4230]  }
.LBB2_9:
0x72: {  	p3 =	sne.s32 s13, $0x7E00;
	v5 =	vld [tilespmem:s11+$0x4270];
	[tilespmem:s12+$0xC210] =	vst v0  }
0x73: {  	v6 =	vld [tilespmem:s11+$0x4200];
	[tilespmem:s12+$0xC250] =	vst v1  }
0x74: {  	v7 =	vld [tilespmem:s11+$0x4240];
	[tilespmem:s12+$0xC220] =	vst v2  }
.Ltmp4:
0x75: {  	v0 =	vld [tilespmem:s11+$0x4210];
	[tilespmem:s12+$0xC260] =	vst v3;
	(pc) =	sbr.rel @p3 .LBB2_9-.Ltmp4, $4  }
0x76: {  	v1 =	vld [tilespmem:s11+$0x4250];
	[tilespmem:s12+$0xC230] =	vst v4;
	s12 =	smov.u32 s11  }
0x77: {  	v2 =	vld [tilespmem:s12+$0x4220];
	[tilespmem:s12+$0xC270] =	vst v5  }
0x78: {  	[tilespmem:s12+$0xC200] =	vst v6;
	v3 =	vld [tilespmem:s12+$0x4260]  }
0x79: {  	s11 =	sshra.s32 s13, $0x2;
	s13 =	sadd.s32 $0x200, s13;
	[tilespmem:s12+$0xC240] =	vst v7;
	v4 =	vld [tilespmem:s12+$0x4230]  }
.LBB2_10:
0x7a: {  	v5 =	vld [tilespmem:s11+$0x4270];
	[tilespmem:s12+$0xC210] =	vst @p2 v0  }
0x7b: {  	v0 =	vld [tilespmem:s11+$0x4200];
	[tilespmem:s12+$0xC250] =	vst @p2 v1  }
0x7c: {  	v1 =	vld [tilespmem:s11+$0x4240];
	[tilespmem:s12+$0xC220] =	vst @p2 v2  }
0x7d: {  	v2 =	vld [tilespmem:s11+$0x4210];
	[tilespmem:s12+$0xC260] =	vst @p2 v3  }
0x7e: {  	v3 =	vld [tilespmem:s11+$0x4250];
	[tilespmem:s12+$0xC230] =	vst @p2 v4  }
0x7f: {  	v4 =	vld [tilespmem:s11+$0x4220];
	[tilespmem:s11+$0xC270] =	vst v5  }
0x80: {  	v62 =	vld [tilespmem:s11+$0x4260];
	[tilespmem:s11+$0xC200] =	vst v0  }
0x81: {  	v63 =	vld [tilespmem:s11+$0x4230];
	[tilespmem:s11+$0xC240] =	vst v1  }
.Ltmp5:
0x82: {  	[tilespmem:s11+$0xC210] =	vst v2;
	(pc) =	sbr.rel @!p1 .LBB2_11-.Ltmp5, $4  }
0x83: {  	[tilespmem:s11+$0xC250] =	vst v3  }
0x84: {  	[tilespmem:s11+$0xC220] =	vst v4  }
0x85: {  	[tilespmem:s11+$0xC260] =	vst v62  }
0x86: {  	[tilespmem:s11+$0xC230] =	vst v63  }
0x87: {  	v3 =	vld [tilespmem:s5+$0x6270]  }
0x88: {  	v4 =	vld [tilespmem:s5+$0x6200]  }
0x89: {  	v5 =	vld [tilespmem:s5+$0x6240];
	p1 =	por $0x1, $0x1  }
.Ltmp6:
0x8a: {  	v0 =	vld [tilespmem:s5+$0x6210];
	(pc) =	sbr.rel @!p1 .LBB2_14-.Ltmp6, $4  }
0x8b: {  	v1 =	vld [tilespmem:s5+$0x6250]  }
0x8c: {  	v2 =	vld [tilespmem:s5+$0x6220];
	[tilespmem:s5+$0xE270] =	vst v3  }
0x8d: {  	[tilespmem:s5+$0xE200] =	vst v4;
	v3 =	vld [tilespmem:s5+$0x6260]  }
0x8e: {  	s11 =	simm.s32 $0x80;
	s12 =	simm.s32 $0x400;
	p0 =	por $0x1, $0x1;
	[tilespmem:s5+$0xE240] =	vst v5;
	v4 =	vld [tilespmem:s5+$0x6230]  }
.LBB2_13:
0x8f: {  	p1 =	sne.s32 s12, $0x7E00;
	v5 =	vld [tilespmem:s11+$0x6270];
	[tilespmem:s5+$0xE210] =	vst v0  }
0x90: {  	v6 =	vld [tilespmem:s11+$0x6200];
	[tilespmem:s5+$0xE250] =	vst v1  }
0x91: {  	v7 =	vld [tilespmem:s11+$0x6240];
	[tilespmem:s5+$0xE220] =	vst v2  }
.Ltmp7:
0x92: {  	v0 =	vld [tilespmem:s11+$0x6210];
	[tilespmem:s5+$0xE260] =	vst v3;
	(pc) =	sbr.rel @p1 .LBB2_13-.Ltmp7, $4  }
0x93: {  	v1 =	vld [tilespmem:s11+$0x6250];
	[tilespmem:s5+$0xE230] =	vst v4;
	s5 =	smov.u32 s11  }
0x94: {  	v2 =	vld [tilespmem:s5+$0x6220];
	[tilespmem:s5+$0xE270] =	vst v5  }
0x95: {  	[tilespmem:s5+$0xE200] =	vst v6;
	v3 =	vld [tilespmem:s5+$0x6260]  }
0x96: {  	s11 =	sshra.s32 s12, $0x2;
	s12 =	sadd.s32 $0x200, s12;
	[tilespmem:s5+$0xE240] =	vst v7;
	v4 =	vld [tilespmem:s5+$0x6230]  }
.LBB2_14:
0x97: {  	v5 =	vld [tilespmem:s11+$0x6270];
	[tilespmem:s5+$0xE210] =	vst @p0 v0  }
0x98: {  	v0 =	vld [tilespmem:s11+$0x6200];
	[tilespmem:s5+$0xE250] =	vst @p0 v1  }
0x99: {  	v1 =	vld [tilespmem:s11+$0x6240];
	[tilespmem:s5+$0xE220] =	vst @p0 v2  }
0x9a: {  	v2 =	vld [tilespmem:s11+$0x6210];
	[tilespmem:s5+$0xE260] =	vst @p0 v3  }
0x9b: {  	v3 =	vld [tilespmem:s11+$0x6250];
	[tilespmem:s5+$0xE230] =	vst @p0 v4  }
0x9c: {  	v4 =	vld [tilespmem:s11+$0x6220];
	[tilespmem:s11+$0xE270] =	vst v5  }
0x9d: {  	v62 =	vld [tilespmem:s11+$0x6260];
	[tilespmem:s11+$0xE200] =	vst v0  }
0x9e: {  	v63 =	vld [tilespmem:s11+$0x6230];
	[tilespmem:s11+$0xE240] =	vst v1  }
0x9f: {  	[tilespmem:s11+$0xE210] =	vst v2  }
0xa0: {  	[tilespmem:s11+$0xE250] =	vst v3  }
0xa1: {  	[tilespmem:s11+$0xE220] =	vst v4  }
0xa2: {  	s2 =	sshll.u32 s2, $0x3;
	[tilespmem:s11+$0xE260] =	vst v62  }
0xa3: {  	[tilespmem:s11+$0xE230] =	vst v63;
	s11 =	sadd.s32 s6, s2  }
0xa4: {  	[hbm4b:s11+s3] =	stream.linear.scatter [tilespmem:s25], [sflag:$0x2], $0x2000, $0x38;
	[tilespmem:$0x10200] =	vst v63  }
0xa5: {  	s12 =	sadd.s32 s2, s8  }
0xa6: {  	[hbm4b:s12+s3] =	stream.linear.scatter [tilespmem:s26], [sflag:$0x2], $0x2000, $0x38;
	[tilespmem:$0x10200] =	vst v63  }
0xa7: {  	s13 =	sadd.s32 s2, s9  }
0xa8: {  	[hbm4b:s13+s3] =	stream.linear.scatter [tilespmem:s28], [sflag:$0x2], $0x2000, $0x38;
	[tilespmem:$0x10200] =	vst v63  }
0xa9: {  	s2 =	sadd.s32 s2, s10  }
0xaa: {  	[hbm4b:s2+s3] =	stream.linear.scatter [tilespmem:s29], [sflag:$0x2], $0x2000, $0x38;
	[tilespmem:$0x10200] =	vst v63  }
0xab: {  	_ =	swait.ge [sflag:s30], $0x2000  }
0xac: {  	[sflag:s30] =	ssyncset.done $0x0  }
0xad: {  	[sflag:s30] =	ssyncadd.s32 $0xFFFFE000  }
0xae: {  	_ =	swait.ge [sflag:s30], $0x2000  }
0xaf: {  	[sflag:s30] =	ssyncset.done $0x0  }
0xb0: {  	s0 =	sadd.s32 $0x1, s0;
	[sflag:s30] =	ssyncadd.s32 $0xFFFFE000  }
0xb1: {  	p0 =	sne.s32 s0, $0x8;
	_ =	swait.ge [sflag:s30], $0x2000  }
.Ltmp8:
0xb2: {  	[sflag:s30] =	ssyncset.done $0x0;
	(pc) =	sbr.rel @p0 .LBB2_2-.Ltmp8, $4  }
.Ltmp9:
0xb3: {  	[sflag:s30] =	ssyncadd.s32 $0xFFFFE000;
	(pc) =	sbr.rel @!p0 .LBB2_15-.Ltmp9, $4  }
0xb4: {  	_ =	swait.ge [sflag:s30], $0x2000  }
0xb5: {  	[sflag:s30] =	ssyncset.done $0x0  }
0xb6: {  	[sflag:s30] =	ssyncadd.s32 $0xFFFFE000  }
0xb7: {  	_ = 	snop  }
.LBB2_11:
.Ltmp10:
0xb8: {  	(pc) =	sbr.rel .LBB2_14-.Ltmp10, $2  }
0xb9: {  	_ =	sdelay $0x2  }
0xba: {  	s11 =	simm.s32 $0x0  }
.LBB2_8:
.Ltmp11:
0xbb: {  	(pc) =	sbr.rel .LBB2_10-.Ltmp11, $2  }
0xbc: {  	_ =	sdelay $0x2  }
0xbd: {  	s12 =	simm.s32 $0x0  }
.LBB2_15:
0xbe: {  	s0 =	simm.s32 $0x0;
	s2 =	rddreg [dreg:$0x6]  }
0xbf: {  	[tilespmem:s0], [sflag:$0x3] =	stream.linear.gather [hbm4b:s2+s0], $0x80, $0x38;
	[tilespmem:$0x10200] =	vst v63  }
0xc0: {  	_ =	swait.ge [sflag:s16], $0x80  }
0xc1: {  	[sflag:s16] =	ssyncset.done $0x0  }
0xc2: {  	s12 =	rddreg [dreg:$0x7];
	[sflag:s16] =	ssyncadd.s32 $0xFFFFFF80  }
0xc3: {  	[tilespmem:s17], [sflag:$0x3] =	stream.linear.gather [hbm4b:s12+s0], $0x80, $0x38;
	[tilespmem:$0x10200] =	vst v63  }
0xc4: {  	_ =	swait.ge [sflag:s16], $0x80  }
0xc5: {  	[sflag:s16] =	ssyncset.done $0x0  }
0xc6: {  	[sflag:s16] =	ssyncadd.s32 $0xFFFFFF80  }
0xc7: {  	[tilespmem:s18], [sflag:$0x1] =	stream.indirect.gather [hbm4b:s4+s17], $0x40, s0, s17, $0xb8;
	[tilespmem:$0x10200] =	vst v63  }
0xc8: {  	s13 =	rddreg [dreg:$0x5]  }
0xc9: {  	[tilespmem:s19], [sflag:$0x1] =	stream.indirect.gather [hbm4b:s13+s17], $0x40, s17, s17, $0xb8;
	[tilespmem:$0x10200] =	vst v63  }
0xca: {  	_ =	swait.ge [sflag:s24], $0x2000  }
0xcb: {  	[sflag:s24] =	ssyncset.done $0x0  }
0xcc: {  	[sflag:s24] =	ssyncadd.s32 $0xFFFFE000  }
0xcd: {  	_ =	swait.ge [sflag:s24], $0x2000  }
0xce: {  	[sflag:s24] =	ssyncset.done $0x0  }
0xcf: {  	s0 =	simm.s32 $0x0;
	[sflag:s24] =	ssyncadd.s32 $0xFFFFE000  }
0xd0: {  	v0 =	vld [tilespmem:s0+$0x200];
	_ =	sdelay $0x3  }
0xd1: {  	s2 =	simm.s32 $0x8240  }
0xd2: {  	[tilespmem:s2+$0xFFFFFFC0] =	vst v0  }
0xd3: {  	v0 =	vld [tilespmem:s0+$0x2200];
	_ =	sdelay $0x4  }
0xd4: {  	[tilespmem:s2+$0x0] =	vst v0  }
0xd5: {  	v0 =	vld [tilespmem:s0+$0x210];
	_ =	sdelay $0x4  }
0xd6: {  	[tilespmem:s2+$0xFFFFFFD0] =	vst v0  }
0xd7: {  	v0 =	vld [tilespmem:s0+$0x2210];
	_ =	sdelay $0x4  }
0xd8: {  	[tilespmem:s2+$0x10] =	vst v0  }
0xd9: {  	v0 =	vld [tilespmem:s0+$0x220];
	_ =	sdelay $0x4  }
0xda: {  	[tilespmem:s2+$0xFFFFFFE0] =	vst v0  }
0xdb: {  	v0 =	vld [tilespmem:s0+$0x2220];
	_ =	sdelay $0x4  }
0xdc: {  	[tilespmem:s2+$0x20] =	vst v0  }
0xdd: {  	v0 =	vld [tilespmem:s0+$0x230];
	_ =	sdelay $0x4  }
0xde: {  	[tilespmem:s2+$0xFFFFFFF0] =	vst v0  }
0xdf: {  	v0 =	vld [tilespmem:s0+$0x2230];
	_ =	sdelay $0x4  }
0xe0: {  	s5 =	simm.s32 $0x40;
	s11 =	simm.s32 $0x200;
	[tilespmem:s2+$0x30] =	vst v0  }
.LBB2_16:
0xe1: {  	p0 =	sne.s32 s11, $0x3F00;
	v0 =	vld [tilespmem:s5+$0x200];
	_ =	sdelay $0x3  }
0xe2: {  	s2 =	sadd.s32 $0x80, s2  }
0xe3: {  	[tilespmem:s2+$0xFFFFFFC0] =	vst v0  }
0xe4: {  	v0 =	vld [tilespmem:s5+$0x2200];
	_ =	sdelay $0x4  }
0xe5: {  	[tilespmem:s2+$0x0] =	vst v0  }
0xe6: {  	v0 =	vld [tilespmem:s5+$0x210];
	_ =	sdelay $0x4  }
0xe7: {  	[tilespmem:s2+$0xFFFFFFD0] =	vst v0  }
0xe8: {  	v0 =	vld [tilespmem:s5+$0x2210];
	_ =	sdelay $0x4  }
0xe9: {  	[tilespmem:s2+$0x10] =	vst v0  }
0xea: {  	v0 =	vld [tilespmem:s5+$0x220];
	_ =	sdelay $0x4  }
0xeb: {  	[tilespmem:s2+$0xFFFFFFE0] =	vst v0  }
0xec: {  	v0 =	vld [tilespmem:s5+$0x2220];
	_ =	sdelay $0x4  }
0xed: {  	[tilespmem:s2+$0x20] =	vst v0  }
0xee: {  	v0 =	vld [tilespmem:s5+$0x230];
	_ =	sdelay $0x4  }
0xef: {  	[tilespmem:s2+$0xFFFFFFF0] =	vst v0  }
0xf0: {  	v0 =	vld [tilespmem:s5+$0x2230]  }
.Ltmp12:
0xf1: {  	(pc) =	sbr.rel @p0 .LBB2_16-.Ltmp12, $2  }
0xf2: {  	_ =	sdelay $0x2  }
0xf3: {  	s5 =	sshra.s32 s11, $0x2;
	s11 =	sadd.s32 $0x100, s11;
	[tilespmem:s2+$0x30] =	vst v0  }
0xf4: {  	v0 =	vld [tilespmem:s5+$0x200];
	_ =	sdelay $0x3  }
0xf5: {  	s2 =	sadd.s32 $0x80, s2  }
0xf6: {  	[tilespmem:s2+$0xFFFFFFC0] =	vst v0  }
0xf7: {  	v0 =	vld [tilespmem:s5+$0x2200];
	_ =	sdelay $0x4  }
0xf8: {  	[tilespmem:s2+$0x0] =	vst v0  }
0xf9: {  	v0 =	vld [tilespmem:s5+$0x210];
	_ =	sdelay $0x4  }
0xfa: {  	[tilespmem:s2+$0xFFFFFFD0] =	vst v0  }
0xfb: {  	v0 =	vld [tilespmem:s5+$0x2210];
	_ =	sdelay $0x4  }
0xfc: {  	[tilespmem:s2+$0x10] =	vst v0  }
0xfd: {  	v0 =	vld [tilespmem:s5+$0x220];
	_ =	sdelay $0x4  }
0xfe: {  	[tilespmem:s2+$0xFFFFFFE0] =	vst v0  }
0xff: {  	v0 =	vld [tilespmem:s5+$0x2220];
	_ =	sdelay $0x4  }
0x100: {  	[tilespmem:s2+$0x20] =	vst v0  }
0x101: {  	v0 =	vld [tilespmem:s5+$0x230];
	_ =	sdelay $0x4  }
0x102: {  	[tilespmem:s2+$0xFFFFFFF0] =	vst v0  }
0x103: {  	v0 =	vld [tilespmem:s5+$0x2230];
	_ =	sdelay $0x4  }
0x104: {  	[tilespmem:s2+$0x30] =	vst v0  }
0x105: {  	v0 =	vld [tilespmem:s0+$0x1200];
	_ =	sdelay $0x3  }
0x106: {  	s2 =	simm.s32 $0xA240  }
0x107: {  	[tilespmem:s2+$0xFFFFFFC0] =	vst v0  }
0x108: {  	v0 =	vld [tilespmem:s0+$0x3200];
	_ =	sdelay $0x4  }
0x109: {  	[tilespmem:s2+$0x0] =	vst v0  }
0x10a: {  	v0 =	vld [tilespmem:s0+$0x1210];
	_ =	sdelay $0x4  }
0x10b: {  	[tilespmem:s2+$0xFFFFFFD0] =	vst v0  }
0x10c: {  	v0 =	vld [tilespmem:s0+$0x3210];
	_ =	sdelay $0x4  }
0x10d: {  	[tilespmem:s2+$0x10] =	vst v0  }
0x10e: {  	v0 =	vld [tilespmem:s0+$0x1220];
	_ =	sdelay $0x4  }
0x10f: {  	[tilespmem:s2+$0xFFFFFFE0] =	vst v0  }
0x110: {  	v0 =	vld [tilespmem:s0+$0x3220];
	_ =	sdelay $0x4  }
0x111: {  	[tilespmem:s2+$0x20] =	vst v0  }
0x112: {  	v0 =	vld [tilespmem:s0+$0x1230];
	_ =	sdelay $0x4  }
0x113: {  	[tilespmem:s2+$0xFFFFFFF0] =	vst v0  }
0x114: {  	v0 =	vld [tilespmem:s0+$0x3230];
	_ =	sdelay $0x4  }
0x115: {  	s5 =	simm.s32 $0x200;
	s0 =	simm.s32 $0x40;
	[tilespmem:s2+$0x30] =	vst v0  }
.LBB2_18:
0x116: {  	p0 =	sne.s32 s5, $0x3F00;
	v0 =	vld [tilespmem:s0+$0x1200];
	_ =	sdelay $0x3  }
0x117: {  	s2 =	sadd.s32 $0x80, s2  }
0x118: {  	[tilespmem:s2+$0xFFFFFFC0] =	vst v0  }
0x119: {  	v0 =	vld [tilespmem:s0+$0x3200];
	_ =	sdelay $0x4  }
0x11a: {  	[tilespmem:s2+$0x0] =	vst v0  }
0x11b: {  	v0 =	vld [tilespmem:s0+$0x1210];
	_ =	sdelay $0x4  }
0x11c: {  	[tilespmem:s2+$0xFFFFFFD0] =	vst v0  }
0x11d: {  	v0 =	vld [tilespmem:s0+$0x3210];
	_ =	sdelay $0x4  }
0x11e: {  	[tilespmem:s2+$0x10] =	vst v0  }
0x11f: {  	v0 =	vld [tilespmem:s0+$0x1220];
	_ =	sdelay $0x4  }
0x120: {  	[tilespmem:s2+$0xFFFFFFE0] =	vst v0  }
0x121: {  	v0 =	vld [tilespmem:s0+$0x3220];
	_ =	sdelay $0x4  }
0x122: {  	[tilespmem:s2+$0x20] =	vst v0  }
0x123: {  	v0 =	vld [tilespmem:s0+$0x1230];
	_ =	sdelay $0x4  }
0x124: {  	[tilespmem:s2+$0xFFFFFFF0] =	vst v0  }
0x125: {  	v0 =	vld [tilespmem:s0+$0x3230]  }
.Ltmp13:
0x126: {  	(pc) =	sbr.rel @p0 .LBB2_18-.Ltmp13, $2  }
0x127: {  	_ =	sdelay $0x2  }
0x128: {  	s0 =	sshra.s32 s5, $0x2;
	s5 =	sadd.s32 $0x100, s5;
	[tilespmem:s2+$0x30] =	vst v0  }
0x129: {  	v0 =	vld [tilespmem:s0+$0x1200];
	_ =	sdelay $0x3  }
0x12a: {  	s2 =	sadd.s32 $0x80, s2  }
0x12b: {  	[tilespmem:s2+$0xFFFFFFC0] =	vst v0  }
0x12c: {  	v0 =	vld [tilespmem:s0+$0x3200];
	_ =	sdelay $0x4  }
0x12d: {  	[tilespmem:s2+$0x0] =	vst v0  }
0x12e: {  	v0 =	vld [tilespmem:s0+$0x1210];
	_ =	sdelay $0x4  }
0x12f: {  	[tilespmem:s2+$0xFFFFFFD0] =	vst v0  }
0x130: {  	v0 =	vld [tilespmem:s0+$0x3210];
	_ =	sdelay $0x4  }
0x131: {  	[tilespmem:s2+$0x10] =	vst v0  }
0x132: {  	v0 =	vld [tilespmem:s0+$0x1220];
	_ =	sdelay $0x4  }
0x133: {  	[tilespmem:s2+$0xFFFFFFE0] =	vst v0  }
0x134: {  	v0 =	vld [tilespmem:s0+$0x3220];
	_ =	sdelay $0x4  }
0x135: {  	[tilespmem:s2+$0x20] =	vst v0  }
0x136: {  	v0 =	vld [tilespmem:s0+$0x1230];
	_ =	sdelay $0x4  }
0x137: {  	[tilespmem:s2+$0xFFFFFFF0] =	vst v0  }
0x138: {  	v0 =	vld [tilespmem:s0+$0x3230];
	_ =	sdelay $0x4  }
0x139: {  	s13 =	rddreg [dreg:$0x8];
	[tilespmem:s2+$0x30] =	vst v0  }
0x13a: {  	[hbm4b:s13+s3] =	stream.linear.scatter [tilespmem:s25], [sflag:$0x3], $0x2000, $0x38;
	[tilespmem:$0x10200] =	vst v63  }
0x13b: {  	s31 =	sadd.s32 $0x1, s31;
	_ =	swait.ge [sflag:s16], $0x2000  }
0x13c: {  	p0 =	sne.s32 s31, s15;
	[sflag:s16] =	ssyncset.done $0x0  }
.Ltmp14:
0x13d: {  	[sflag:s16] =	ssyncadd.s32 $0xFFFFE000;
	(pc) =	sbr.rel @p0 .LBB2_1-.Ltmp14, $4  }
0x13e: {  	[hbm4b:s14+s3] =	stream.linear.scatter [tilespmem:s26], [sflag:$0x3], $0x2000, $0x38;
	[tilespmem:$0x10200] =	vst v63  }
0x13f: {  	_ =	swait.ge [sflag:s16], $0x2000  }
0x140: {  	[sflag:s16] =	ssyncset.done $0x0  }
0x141: {  	[sflag:s16] =	ssyncadd.s32 $0xFFFFE000  }
0x142: {  	_ =	sfence.sel $0x180000  }
0x143: {  	[bflag:$0x0] =	sbarrier.arrive $0xFFFF  }
0x144: {  	_ =	strace $0x90000047  }
0x145: {  	s0 =	stileid.u32;
	[bflag:$0x2] =	sbarrier.arrive $0xFFFF  }
0x146: {  	p0 =	sne.s32 s0, $0x0;
	s0 =	rddreg [dreg:$0x4]  }
0x147: {  	s0 =	sadd.s32 @!p0 $0x100000, s0  }
0x148: {  	[sflag:s0] =	ssyncadd.tile.s32 @!p0 $0x1;
	_ =	shalt  }
.Lfunc_end2:
_tile_overlayer_lowered:
.L_overlay_start_2:
0x149: {  	(tag) =	ssettag $0x2  }
0x14a: {  	s0 =	rddreg [dreg:$0x0];
	s2 =	stileid.u32  }
0x14b: {  	s1 =	rddreg [dreg:$0x1];
	p0 =	sne.s32 s2, $0x0  }
0x14c: {  	s3 =	rddreg [dreg:$0x2];
	[bflag:$0x3] =	sbarrier.arrive $0xFFFF;
	s2 =	simm.s32 @!p0 $0x1C03  }
0x14d: {  	[timem:s3], [sflag:s2] =	dma.local @!p0 [hbm:s0], s1  }
0x14e: {  	s0 =	simm.s32 @!p0 $0x3  }
0x14f: {  	_ =	swait.ge @!p0 [sflag:s0], s1  }
0x150: {  	s1 =	ssub.s32 @!p0 $0x0, s1;
	[sflag:s0] =	ssyncset.done @!p0 $0x0  }
0x151: {  	[sflag:s0] =	ssyncadd.s32 @!p0 s1  }
0x152: {  	[bflag:$0x3] =	sbarrier.arrive $0xFFFF  }
0x153: {  	_ =	shalt  }

</sc_bundles>
